<compile_context>
chip_gen: v7x
topology: tpu7x:2x2x1
jax: 0.10.2.dev20260603
libtpu: 0.0.44.dev20260713+nightly
codegen_flags: <defaults>
</compile_context>

<pallas_src>
import jax
import jax.numpy as jnp
from jax import lax
from jax.experimental import pallas as pl
from jax.experimental.pallas import tpu as pltpu
from jax.experimental.pallas import tpu_sc as plsc

VOCAB = 1000000
DIM = 64
B = 1024
L = 200
NSEG = 2
BSEG = B // NSEG
NW = 32
SEQW = BSEG // NW
TOKW = SEQW * L
CH = 128
NCH = TOKW // CH
NIF = 2
NSLOT = 5
NOUT = NCH // NSLOT

SEQB = 32
TCB = SEQB * L

_EPS = 1e-5
_SCALE = 8.0


def _pos_encoding():
    dim_loc = jnp.arange(0, DIM, 2).astype(jnp.float32)
    pos_loc = jnp.arange(0, L).astype(jnp.float32)
    denominator = jnp.exp(-(dim_loc / DIM) * jnp.log(10000.0))
    ang = pos_loc[:, None] * denominator[None, :]
    pe = jnp.zeros((L, DIM), dtype=jnp.float32)
    pe = pe.at[:, 0::2].set(jnp.sin(ang))
    pe = pe.at[:, 1::2].set(jnp.cos(ang))
    return pe


def _worker_id():
    return lax.axis_index("s") * 2 + lax.axis_index("c")


def _sc_gather(x_hbm, table_hbm, out_hbm, idx2d, rows, gsem, osem):
    wid = _worker_id()
    pltpu.sync_copy(x_hbm.at[wid], idx2d)

    for b in range(NIF):
        pltpu.make_async_copy(
            table_hbm.at[idx2d.at[b]], rows[b], gsem[b]).start()

    def outer(c0, _):
        for b in range(NSLOT):
            c = c0 * NSLOT + b
            pltpu.make_async_copy(
                table_hbm.at[idx2d.at[c]], rows[b], gsem[b]).wait()
            pltpu.make_async_copy(
                rows[b], out_hbm.at[wid, c], osem[b]).start()

            s2 = (b + NIF) % NSLOT

            @pl.when(c + NIF < NCH)
            def _issue():
                @pl.when(c >= NSLOT - NIF)
                def _drain():
                    pltpu.make_async_copy(
                        rows[s2], out_hbm.at[wid, c + NIF - NSLOT],
                        osem[s2]).wait()
                pltpu.make_async_copy(
                    table_hbm.at[idx2d.at[c + NIF]], rows[s2],
                    gsem[s2]).start()
        return 0

    lax.fori_loop(0, NOUT, outer, 0)

    for b in range(NSLOT):
        c = (NOUT - 1) * NSLOT + b
        pltpu.make_async_copy(
            rows[b], out_hbm.at[wid, c], osem[b]).wait()


def _tc_norm(emb_ref, pe_ref, g_ref, b_ref, out_ref):
    e = emb_ref[...] * _SCALE + pe_ref[...]
    mean = jnp.mean(e, axis=-1, keepdims=True)
    var = jnp.mean(e * e, axis=-1, keepdims=True) - mean * mean
    out_ref[...] = (e - mean) * lax.rsqrt(var + _EPS) * g_ref[...] + b_ref[...]


def kernel(x, table, ln_gamma, ln_beta):
    mesh = plsc.VectorSubcoreMesh(core_axis_name="c", subcore_axis_name="s")
    gather = pl.kernel(
        _sc_gather,
        out_type=jax.ShapeDtypeStruct((NW, NCH, CH, DIM), jnp.float32),
        mesh=mesh,
        compiler_params=pltpu.CompilerParams(
            needs_layout_passes=False, use_tc_tiling_on_sc=False),
        scratch_types=[
            pltpu.VMEM((NCH, CH), jnp.int32),
            [pltpu.VMEM((CH, DIM), jnp.float32) for _ in range(NSLOT)],
            [pltpu.SemaphoreType.DMA for _ in range(NSLOT)],
            [pltpu.SemaphoreType.DMA for _ in range(NSLOT)],
        ],
    )

    pe_rep = jnp.tile(_pos_encoding(), (SEQB, 1))
    norm = pl.pallas_call(
        _tc_norm,
        grid=(BSEG // SEQB,),
        in_specs=[
            pl.BlockSpec((TCB, DIM), lambda i: (i, 0)),
            pl.BlockSpec((TCB, DIM), lambda i: (0, 0)),
            pl.BlockSpec((1, DIM), lambda i: (0, 0)),
            pl.BlockSpec((1, DIM), lambda i: (0, 0)),
        ],
        out_specs=pl.BlockSpec((TCB, DIM), lambda i: (i, 0)),
        out_shape=jax.ShapeDtypeStruct((BSEG * L, DIM), jnp.float32),
    )

    g2 = ln_gamma.reshape(1, DIM)
    b2 = ln_beta.reshape(1, DIM)
    xi = x.astype(jnp.int32)
    outs = []
    for s in range(NSEG):
        xw = xi[s * BSEG:(s + 1) * BSEG].reshape(NW, NCH, CH)
        emb = gather(xw, table).reshape(BSEG * L, DIM)
        outs.append(norm(emb, pe_rep, g2, b2).reshape(BSEG, L, DIM))
    return jnp.concatenate(outs, axis=0)

# --- scband reference (transcript-rebuilt; emitter-appended) ---
"""Pipeline reference for scband-embedding-with-position-44495861187276 (READ-ONLY COPY).

The authoritative reference and input builder live on the scoring server;
editing this copy changes nothing except your own understanding.
"""

import jax, jax.numpy as jnp
import numpy as np

VOCAB = 1000000
DIM = 64
POS_MAX_LEN = 512
B = 1024
L = 200


def get_pos_encoding(dim, max_len):
    dim_loc = jnp.arange(0, dim, 2).astype(jnp.float32)
    pos_loc = jnp.arange(0, max_len).astype(jnp.float32)
    denominator = jnp.exp(-(dim_loc / dim) * jnp.log(10000.0))
    ang = pos_loc[:, None] * denominator[None, :]
    pe = jnp.zeros((max_len, dim), dtype=jnp.float32)
    pe = pe.at[:, 0::2].set(jnp.sin(ang))
    pe = pe.at[:, 1::2].set(jnp.cos(ang))
    return pe


def setup_inputs(seed: int = 0) -> dict:
    key = jax.random.key(seed)
    k1, k2 = jax.random.split(key)
    x = jax.random.randint(k1, (B, L), 0, VOCAB, dtype=jnp.int64 if jax.config.jax_enable_x64 else jnp.int32)
    table = jax.random.normal(k2, (VOCAB, DIM), dtype=jnp.float32)
    ln_gamma = jnp.ones((DIM,), dtype=jnp.float32)
    ln_beta = jnp.zeros((DIM,), dtype=jnp.float32)
    return {"x": x, "table": table, "ln_gamma": ln_gamma, "ln_beta": ln_beta}


def reference(x, table, ln_gamma, ln_beta):
    dim_sqrt = jnp.sqrt(jnp.asarray(DIM, dtype=jnp.float32))
    pos_enc = get_pos_encoding(DIM, POS_MAX_LEN)
    Lx = x.shape[1]
    emb = jnp.take(table, x, axis=0) * dim_sqrt + pos_enc[:Lx, :]
    # dropout with p=0.0 is identity
    mean = jnp.mean(emb, axis=-1, keepdims=True)
    var = jnp.var(emb, axis=-1, keepdims=True)
    out = (emb - mean) / jnp.sqrt(var + 1e-5) * ln_gamma + ln_beta
    return out

if __name__ == "__main__":
    import jax
    _d = setup_inputs()
    print(jax.jit(kernel)(*tuple(_d.values())))

</pallas_src>

<mosaic_0001>
#map = affine_map<(d0, d1) -> (0, 0, 0)>
#map1 = affine_map<(d0, d1) -> (0, 0)>
#map2 = affine_map<(d0, d1) -> (0, 0, 0, 0)>
module attributes {stable_mosaic.version = 14 : i64} {
  func.func @_sc_gather(%arg0: i32, %arg1: i32, %arg2: memref<32x25x128xi32, #tpu.memory_space<hbm>>, %arg3: memref<1000000x64xf32, #tpu.memory_space<hbm>>, %arg4: memref<32x25x128x64xf32, #tpu.memory_space<hbm>>, %arg5: memref<25x128xi32, #tpu.memory_space<vmem>>, %arg6: memref<128x64xf32, #tpu.memory_space<vmem>>, %arg7: memref<128x64xf32, #tpu.memory_space<vmem>>, %arg8: memref<128x64xf32, #tpu.memory_space<vmem>>, %arg9: memref<128x64xf32, #tpu.memory_space<vmem>>, %arg10: memref<128x64xf32, #tpu.memory_space<vmem>>, %arg11: memref<!tpu.dma_semaphore, #tpu.memory_space<semaphore_mem>>, %arg12: memref<!tpu.dma_semaphore, #tpu.memory_space<semaphore_mem>>, %arg13: memref<!tpu.dma_semaphore, #tpu.memory_space<semaphore_mem>>, %arg14: memref<!tpu.dma_semaphore, #tpu.memory_space<semaphore_mem>>, %arg15: memref<!tpu.dma_semaphore, #tpu.memory_space<semaphore_mem>>, %arg16: memref<!tpu.dma_semaphore, #tpu.memory_space<semaphore_mem>>, %arg17: memref<!tpu.dma_semaphore, #tpu.memory_space<semaphore_mem>>, %arg18: memref<!tpu.dma_semaphore, #tpu.memory_space<semaphore_mem>>, %arg19: memref<!tpu.dma_semaphore, #tpu.memory_space<semaphore_mem>>, %arg20: memref<!tpu.dma_semaphore, #tpu.memory_space<semaphore_mem>>) attributes {dimension_semantics = [#tpu.dimension_semantics<core_parallel>, #tpu.dimension_semantics<subcore_parallel>], iteration_bounds = array<i64: 2, 16>, scalar_prefetch = 0 : i64, scratch_operands = 16 : i64, tpu.core_type = #tpu.core_type<sc_vector_subcore>, window_params = [{transform_indices = #map}, {transform_indices = #map1}, {transform_indices = #map2}]} {
    %mul3A = arith.constant 2 : i32
    %mul3A_0 = arith.muli %arg1, %mul3A : i32
    %add3A = arith.addi %mul3A_0, %arg0 : i32
    "tpu.region"() ({
      %run_scoped3A = tpu.sem_alloc : memref<!tpu.dma_semaphore, #tpu.memory_space<semaphore_mem>>
      %dma_start3A_64 = arith.constant 0 : i32
      %dma_start3A_65 = arith.constant 0 : i32
      %dma_start3A_66 = tpu.memref_slice %arg2[%add3A, %dma_start3A_64, %dma_start3A_65] : memref<32x25x128xi32, #tpu.memory_space<hbm>> -> memref<1x25x128xi32, #tpu.memory_space<hbm>>
      %dma_start3A_67 = tpu.memref_squeeze %dma_start3A_66 : memref<1x25x128xi32, #tpu.memory_space<hbm>> -> memref<25x128xi32, #tpu.memory_space<hbm>>
      %dma_start3A_68 = arith.constant 0 : i32
      %dma_start3A_69 = arith.constant 0 : i32
      %dma_start3A_70 = tpu.memref_slice %arg2[%add3A, %dma_start3A_68, %dma_start3A_69] : memref<32x25x128xi32, #tpu.memory_space<hbm>> -> memref<1x25x128xi32, #tpu.memory_space<hbm>>
      %dma_start3A_71 = tpu.memref_squeeze %dma_start3A_70 : memref<1x25x128xi32, #tpu.memory_space<hbm>> -> memref<25x128xi32, #tpu.memory_space<hbm>>
      tpu.enqueue_dma source(%dma_start3A_71 : memref<25x128xi32, #tpu.memory_space<hbm>>) target(%arg5 : memref<25x128xi32, #tpu.memory_space<vmem>>) target_semaphore(%run_scoped3A : memref<!tpu.dma_semaphore, #tpu.memory_space<semaphore_mem>>)
      %dma_wait3A_72 = arith.constant 0 : i32
      %dma_wait3A_73 = arith.constant 0 : i32
      %dma_wait3A_74 = tpu.memref_slice %arg2[%add3A, %dma_wait3A_72, %dma_wait3A_73] : memref<32x25x128xi32, #tpu.memory_space<hbm>> -> memref<1x25x128xi32, #tpu.memory_space<hbm>>
      %dma_wait3A_75 = tpu.memref_squeeze %dma_wait3A_74 : memref<1x25x128xi32, #tpu.memory_space<hbm>> -> memref<25x128xi32, #tpu.memory_space<hbm>>
      %dma_wait3A_76 = arith.constant 0 : i32
      %dma_wait3A_77 = arith.constant 0 : i32
      %dma_wait3A_78 = tpu.memref_slice %arg2[%add3A, %dma_wait3A_76, %dma_wait3A_77] : memref<32x25x128xi32, #tpu.memory_space<hbm>> -> memref<1x25x128xi32, #tpu.memory_space<hbm>>
      %dma_wait3A_79 = tpu.memref_squeeze %dma_wait3A_78 : memref<1x25x128xi32, #tpu.memory_space<hbm>> -> memref<25x128xi32, #tpu.memory_space<hbm>>
      tpu.wait_dma2 semaphore(%run_scoped3A : memref<!tpu.dma_semaphore, #tpu.memory_space<semaphore_mem>>) src(%dma_wait3A_79 : memref<25x128xi32, #tpu.memory_space<hbm>>) dst(%arg5 : memref<25x128xi32, #tpu.memory_space<vmem>>)
      tpu.yield
    }) : () -> ()
    %dma_start3A = arith.constant 0 : i32
    %dma_start3A_1 = arith.constant 0 : i32
    %dma_start3A_2 = tpu.memref_slice %arg5[%dma_start3A, %dma_start3A_1] : memref<25x128xi32, #tpu.memory_space<vmem>> -> memref<1x128xi32, #tpu.memory_space<vmem>>
    %dma_start3A_3 = tpu.memref_squeeze %dma_start3A_2 : memref<1x128xi32, #tpu.memory_space<vmem>> -> memref<128xi32, #tpu.memory_space<vmem>>
    %dma_start3A_4 = arith.constant 0 : i32
    %dma_start3A_5 = arith.constant 0 : i32
    %dma_start3A_6 = tpu.memref_slice %arg3[%dma_start3A_4, %dma_start3A_5] : memref<1000000x64xf32, #tpu.memory_space<hbm>> -> memref<1000000x64xf32, #tpu.memory_space<hbm>>
    tpu.enqueue_indirect_dma source(%dma_start3A_6 : memref<1000000x64xf32, #tpu.memory_space<hbm>>) target(%arg6 : memref<128x64xf32, #tpu.memory_space<vmem>>) offsets(%dma_start3A_3 : memref<128xi32, #tpu.memory_space<vmem>>) semaphore(%arg11 : memref<!tpu.dma_semaphore, #tpu.memory_space<semaphore_mem>>)
    %dma_start3A_7 = arith.constant 1 : i32
    %dma_start3A_8 = arith.constant 0 : i32
    %dma_start3A_9 = tpu.memref_slice %arg5[%dma_start3A_7, %dma_start3A_8] : memref<25x128xi32, #tpu.memory_space<vmem>> -> memref<1x128xi32, #tpu.memory_space<vmem>>
    %dma_start3A_10 = tpu.memref_squeeze %dma_start3A_9 : memref<1x128xi32, #tpu.memory_space<vmem>> -> memref<128xi32, #tpu.memory_space<vmem>>
    %dma_start3A_11 = arith.constant 0 : i32
    %dma_start3A_12 = arith.constant 0 : i32
    %dma_start3A_13 = tpu.memref_slice %arg3[%dma_start3A_11, %dma_start3A_12] : memref<1000000x64xf32, #tpu.memory_space<hbm>> -> memref<1000000x64xf32, #tpu.memory_space<hbm>>
    tpu.enqueue_indirect_dma source(%dma_start3A_13 : memref<1000000x64xf32, #tpu.memory_space<hbm>>) target(%arg7 : memref<128x64xf32, #tpu.memory_space<vmem>>) offsets(%dma_start3A_10 : memref<128xi32, #tpu.memory_space<vmem>>) semaphore(%arg12 : memref<!tpu.dma_semaphore, #tpu.memory_space<semaphore_mem>>)
    %scan3A = arith.constant 0 : i32
    %scan3A_14 = arith.constant 0 : i32
    %scan3A_15 = arith.constant 5 : i32
    %scan3A_16 = arith.addi %scan3A_14, %scan3A_15 : i32
    %scan3A_17 = arith.constant 1 : i32
    %scan3A_18 = scf.for %scan3A_64 = %scan3A_14 to %scan3A_16 step %scan3A_17 iter_args(%scan3A_65 = %scan3A) -> (i32)  : i32 {
      %mul3A_66 = arith.constant 5 : i32
      %mul3A_67 = arith.muli %scan3A_64, %mul3A_66 : i32
      %add3A_68 = arith.constant 0 : i32
      %add3A_69 = arith.addi %mul3A_67, %add3A_68 : i32
      %dma_wait3A_70 = arith.constant 0 : i32
      %dma_wait3A_71 = tpu.memref_slice %arg5[%add3A_69, %dma_wait3A_70] : memref<25x128xi32, #tpu.memory_space<vmem>> -> memref<1x128xi32, #tpu.memory_space<vmem>>
      %dma_wait3A_72 = tpu.memref_squeeze %dma_wait3A_71 : memref<1x128xi32, #tpu.memory_space<vmem>> -> memref<128xi32, #tpu.memory_space<vmem>>
      %dma_wait3A_73 = arith.constant 0 : i32
      %dma_wait3A_74 = arith.constant 0 : i32
      %dma_wait3A_75 = tpu.memref_slice %arg3[%dma_wait3A_73, %dma_wait3A_74] : memref<1000000x64xf32, #tpu.memory_space<hbm>> -> memref<1000000x64xf32, #tpu.memory_space<hbm>>
      tpu.wait_indirect_dma semaphore(%arg11 : memref<!tpu.dma_semaphore, #tpu.memory_space<semaphore_mem>>) src(%dma_wait3A_75 : memref<1000000x64xf32, #tpu.memory_space<hbm>>) dst(%arg6 : memref<128x64xf32, #tpu.memory_space<vmem>>)
      %dma_start3A_76 = arith.constant 0 : i32
      %dma_start3A_77 = arith.constant 0 : i32
      %dma_start3A_78 = tpu.memref_slice %arg4[%add3A, %add3A_69, %dma_start3A_76, %dma_start3A_77] : memref<32x25x128x64xf32, #tpu.memory_space<hbm>> -> memref<1x1x128x64xf32, #tpu.memory_space<hbm>>
      %dma_start3A_79 = tpu.memref_squeeze %dma_start3A_78 : memref<1x1x128x64xf32, #tpu.memory_space<hbm>> -> memref<128x64xf32, #tpu.memory_space<hbm>>
      %dma_start3A_80 = arith.constant 0 : i32
      %dma_start3A_81 = arith.constant 0 : i32
      %dma_start3A_82 = tpu.memref_slice %arg4[%add3A, %add3A_69, %dma_start3A_80, %dma_start3A_81] : memref<32x25x128x64xf32, #tpu.memory_space<hbm>> -> memref<1x1x128x64xf32, #tpu.memory_space<hbm>>
      %dma_start3A_83 = tpu.memref_squeeze %dma_start3A_82 : memref<1x1x128x64xf32, #tpu.memory_space<hbm>> -> memref<128x64xf32, #tpu.memory_space<hbm>>
      tpu.enqueue_dma source(%arg6 : memref<128x64xf32, #tpu.memory_space<vmem>>) target(%dma_start3A_83 : memref<128x64xf32, #tpu.memory_space<hbm>>) target_semaphore(%arg16 : memref<!tpu.dma_semaphore, #tpu.memory_space<semaphore_mem>>)
      %add3A_84 = arith.constant 2 : i32
      %add3A_85 = arith.addi %add3A_69, %add3A_84 : i32
      %lt3A = arith.constant 25 : i32
      %lt3A_86 = arith.cmpi slt, %add3A_85, %lt3A : i32
      %convert_element_type3A = arith.extui %lt3A_86 : i1 to i32
      %cond3A = arith.constant 0 : i32
      %cond3A_87 = arith.cmpi ne, %convert_element_type3A, %cond3A : i32
      scf.if %cond3A_87 {
        %ge3A = arith.constant 3 : i32
        %ge3A_189 = arith.cmpi sge, %add3A_69, %ge3A : i32
        %convert_element_type3A_190 = arith.extui %ge3A_189 : i1 to i32
        %cond3A_191 = arith.constant 0 : i32
        %cond3A_192 = arith.cmpi ne, %convert_element_type3A_190, %cond3A_191 : i32
        scf.if %cond3A_192 {
          %add3A_201 = arith.constant 2 : i32
          %add3A_202 = arith.addi %add3A_69, %add3A_201 : i32
          %sub3A = arith.constant 5 : i32
          %sub3A_203 = arith.subi %add3A_202, %sub3A : i32
          %dma_wait3A_204 = arith.constant 0 : i32
          %dma_wait3A_205 = arith.constant 0 : i32
          %dma_wait3A_206 = tpu.memref_slice %arg4[%add3A, %sub3A_203, %dma_wait3A_204, %dma_wait3A_205] : memref<32x25x128x64xf32, #tpu.memory_space<hbm>> -> memref<1x1x128x64xf32, #tpu.memory_space<hbm>>
          %dma_wait3A_207 = tpu.memref_squeeze %dma_wait3A_206 : memref<1x1x128x64xf32, #tpu.memory_space<hbm>> -> memref<128x64xf32, #tpu.memory_space<hbm>>
          %dma_wait3A_208 = arith.constant 0 : i32
          %dma_wait3A_209 = arith.constant 0 : i32
          %dma_wait3A_210 = tpu.memref_slice %arg4[%add3A, %sub3A_203, %dma_wait3A_208, %dma_wait3A_209] : memref<32x25x128x64xf32, #tpu.memory_space<hbm>> -> memref<1x1x128x64xf32, #tpu.memory_space<hbm>>
          %dma_wait3A_211 = tpu.memref_squeeze %dma_wait3A_210 : memref<1x1x128x64xf32, #tpu.memory_space<hbm>> -> memref<128x64xf32, #tpu.memory_space<hbm>>
          tpu.wait_dma2 semaphore(%arg18 : memref<!tpu.dma_semaphore, #tpu.memory_space<semaphore_mem>>) src(%arg8 : memref<128x64xf32, #tpu.memory_space<vmem>>) dst(%dma_wait3A_211 : memref<128x64xf32, #tpu.memory_space<hbm>>)
        } else {
        }
        %add3A_193 = arith.constant 2 : i32
        %add3A_194 = arith.addi %add3A_69, %add3A_193 : i32
        %dma_start3A_195 = arith.constant 0 : i32
        %dma_start3A_196 = tpu.memref_slice %arg5[%add3A_194, %dma_start3A_195] : memref<25x128xi32, #tpu.memory_space<vmem>> -> memref<1x128xi32, #tpu.memory_space<vmem>>
        %dma_start3A_197 = tpu.memref_squeeze %dma_start3A_196 : memref<1x128xi32, #tpu.memory_space<vmem>> -> memref<128xi32, #tpu.memory_space<vmem>>
        %dma_start3A_198 = arith.constant 0 : i32
        %dma_start3A_199 = arith.constant 0 : i32
        %dma_start3A_200 = tpu.memref_slice %arg3[%dma_start3A_198, %dma_start3A_199] : memref<1000000x64xf32, #tpu.memory_space<hbm>> -> memref<1000000x64xf32, #tpu.memory_space<hbm>>
        tpu.enqueue_indirect_dma source(%dma_start3A_200 : memref<1000000x64xf32, #tpu.memory_space<hbm>>) target(%arg8 : memref<128x64xf32, #tpu.memory_space<vmem>>) offsets(%dma_start3A_197 : memref<128xi32, #tpu.memory_space<vmem>>) semaphore(%arg13 : memref<!tpu.dma_semaphore, #tpu.memory_space<semaphore_mem>>)
      } else {
      }
      %mul3A_88 = arith.constant 5 : i32
      %mul3A_89 = arith.muli %scan3A_64, %mul3A_88 : i32
      %add3A_90 = arith.constant 1 : i32
      %add3A_91 = arith.addi %mul3A_89, %add3A_90 : i32
      %dma_wait3A_92 = arith.constant 0 : i32
      %dma_wait3A_93 = tpu.memref_slice %arg5[%add3A_91, %dma_wait3A_92] : memref<25x128xi32, #tpu.memory_space<vmem>> -> memref<1x128xi32, #tpu.memory_space<vmem>>
      %dma_wait3A_94 = tpu.memref_squeeze %dma_wait3A_93 : memref<1x128xi32, #tpu.memory_space<vmem>> -> memref<128xi32, #tpu.memory_space<vmem>>
      %dma_wait3A_95 = arith.constant 0 : i32
      %dma_wait3A_96 = arith.constant 0 : i32
      %dma_wait3A_97 = tpu.memref_slice %arg3[%dma_wait3A_95, %dma_wait3A_96] : memref<1000000x64xf32, #tpu.memory_space<hbm>> -> memref<1000000x64xf32, #tpu.memory_space<hbm>>
      tpu.wait_indirect_dma semaphore(%arg12 : memref<!tpu.dma_semaphore, #tpu.memory_space<semaphore_mem>>) src(%dma_wait3A_97 : memref<1000000x64xf32, #tpu.memory_space<hbm>>) dst(%arg7 : memref<128x64xf32, #tpu.memory_space<vmem>>)
      %dma_start3A_98 = arith.constant 0 : i32
      %dma_start3A_99 = arith.constant 0 : i32
      %dma_start3A_100 = tpu.memref_slice %arg4[%add3A, %add3A_91, %dma_start3A_98, %dma_start3A_99] : memref<32x25x128x64xf32, #tpu.memory_space<hbm>> -> memref<1x1x128x64xf32, #tpu.memory_space<hbm>>
      %dma_start3A_101 = tpu.memref_squeeze %dma_start3A_100 : memref<1x1x128x64xf32, #tpu.memory_space<hbm>> -> memref<128x64xf32, #tpu.memory_space<hbm>>
      %dma_start3A_102 = arith.constant 0 : i32
      %dma_start3A_103 = arith.constant 0 : i32
      %dma_start3A_104 = tpu.memref_slice %arg4[%add3A, %add3A_91, %dma_start3A_102, %dma_start3A_103] : memref<32x25x128x64xf32, #tpu.memory_space<hbm>> -> memref<1x1x128x64xf32, #tpu.memory_space<hbm>>
      %dma_start3A_105 = tpu.memref_squeeze %dma_start3A_104 : memref<1x1x128x64xf32, #tpu.memory_space<hbm>> -> memref<128x64xf32, #tpu.memory_space<hbm>>
      tpu.enqueue_dma source(%arg7 : memref<128x64xf32, #tpu.memory_space<vmem>>) target(%dma_start3A_105 : memref<128x64xf32, #tpu.memory_space<hbm>>) target_semaphore(%arg17 : memref<!tpu.dma_semaphore, #tpu.memory_space<semaphore_mem>>)
      %add3A_106 = arith.constant 2 : i32
      %add3A_107 = arith.addi %add3A_91, %add3A_106 : i32
      %lt3A_108 = arith.constant 25 : i32
      %lt3A_109 = arith.cmpi slt, %add3A_107, %lt3A_108 : i32
      %convert_element_type3A_110 = arith.extui %lt3A_109 : i1 to i32
      %cond3A_111 = arith.constant 0 : i32
      %cond3A_112 = arith.cmpi ne, %convert_element_type3A_110, %cond3A_111 : i32
      scf.if %cond3A_112 {
        %ge3A = arith.constant 3 : i32
        %ge3A_189 = arith.cmpi sge, %add3A_91, %ge3A : i32
        %convert_element_type3A_190 = arith.extui %ge3A_189 : i1 to i32
        %cond3A_191 = arith.constant 0 : i32
        %cond3A_192 = arith.cmpi ne, %convert_element_type3A_190, %cond3A_191 : i32
        scf.if %cond3A_192 {
          %add3A_201 = arith.constant 2 : i32
          %add3A_202 = arith.addi %add3A_91, %add3A_201 : i32
          %sub3A = arith.constant 5 : i32
          %sub3A_203 = arith.subi %add3A_202, %sub3A : i32
          %dma_wait3A_204 = arith.constant 0 : i32
          %dma_wait3A_205 = arith.constant 0 : i32
          %dma_wait3A_206 = tpu.memref_slice %arg4[%add3A, %sub3A_203, %dma_wait3A_204, %dma_wait3A_205] : memref<32x25x128x64xf32, #tpu.memory_space<hbm>> -> memref<1x1x128x64xf32, #tpu.memory_space<hbm>>
          %dma_wait3A_207 = tpu.memref_squeeze %dma_wait3A_206 : memref<1x1x128x64xf32, #tpu.memory_space<hbm>> -> memref<128x64xf32, #tpu.memory_space<hbm>>
          %dma_wait3A_208 = arith.constant 0 : i32
          %dma_wait3A_209 = arith.constant 0 : i32
          %dma_wait3A_210 = tpu.memref_slice %arg4[%add3A, %sub3A_203, %dma_wait3A_208, %dma_wait3A_209] : memref<32x25x128x64xf32, #tpu.memory_space<hbm>> -> memref<1x1x128x64xf32, #tpu.memory_space<hbm>>
          %dma_wait3A_211 = tpu.memref_squeeze %dma_wait3A_210 : memref<1x1x128x64xf32, #tpu.memory_space<hbm>> -> memref<128x64xf32, #tpu.memory_space<hbm>>
          tpu.wait_dma2 semaphore(%arg19 : memref<!tpu.dma_semaphore, #tpu.memory_space<semaphore_mem>>) src(%arg9 : memref<128x64xf32, #tpu.memory_space<vmem>>) dst(%dma_wait3A_211 : memref<128x64xf32, #tpu.memory_space<hbm>>)
        } else {
        }
        %add3A_193 = arith.constant 2 : i32
        %add3A_194 = arith.addi %add3A_91, %add3A_193 : i32
        %dma_start3A_195 = arith.constant 0 : i32
        %dma_start3A_196 = tpu.memref_slice %arg5[%add3A_194, %dma_start3A_195] : memref<25x128xi32, #tpu.memory_space<vmem>> -> memref<1x128xi32, #tpu.memory_space<vmem>>
        %dma_start3A_197 = tpu.memref_squeeze %dma_start3A_196 : memref<1x128xi32, #tpu.memory_space<vmem>> -> memref<128xi32, #tpu.memory_space<vmem>>
        %dma_start3A_198 = arith.constant 0 : i32
        %dma_start3A_199 = arith.constant 0 : i32
        %dma_start3A_200 = tpu.memref_slice %arg3[%dma_start3A_198, %dma_start3A_199] : memref<1000000x64xf32, #tpu.memory_space<hbm>> -> memref<1000000x64xf32, #tpu.memory_space<hbm>>
        tpu.enqueue_indirect_dma source(%dma_start3A_200 : memref<1000000x64xf32, #tpu.memory_space<hbm>>) target(%arg9 : memref<128x64xf32, #tpu.memory_space<vmem>>) offsets(%dma_start3A_197 : memref<128xi32, #tpu.memory_space<vmem>>) semaphore(%arg14 : memref<!tpu.dma_semaphore, #tpu.memory_space<semaphore_mem>>)
      } else {
      }
      %mul3A_113 = arith.constant 5 : i32
      %mul3A_114 = arith.muli %scan3A_64, %mul3A_113 : i32
      %add3A_115 = arith.constant 2 : i32
      %add3A_116 = arith.addi %mul3A_114, %add3A_115 : i32
      %dma_wait3A_117 = arith.constant 0 : i32
      %dma_wait3A_118 = tpu.memref_slice %arg5[%add3A_116, %dma_wait3A_117] : memref<25x128xi32, #tpu.memory_space<vmem>> -> memref<1x128xi32, #tpu.memory_space<vmem>>
      %dma_wait3A_119 = tpu.memref_squeeze %dma_wait3A_118 : memref<1x128xi32, #tpu.memory_space<vmem>> -> memref<128xi32, #tpu.memory_space<vmem>>
      %dma_wait3A_120 = arith.constant 0 : i32
      %dma_wait3A_121 = arith.constant 0 : i32
      %dma_wait3A_122 = tpu.memref_slice %arg3[%dma_wait3A_120, %dma_wait3A_121] : memref<1000000x64xf32, #tpu.memory_space<hbm>> -> memref<1000000x64xf32, #tpu.memory_space<hbm>>
      tpu.wait_indirect_dma semaphore(%arg13 : memref<!tpu.dma_semaphore, #tpu.memory_space<semaphore_mem>>) src(%dma_wait3A_122 : memref<1000000x64xf32, #tpu.memory_space<hbm>>) dst(%arg8 : memref<128x64xf32, #tpu.memory_space<vmem>>)
      %dma_start3A_123 = arith.constant 0 : i32
      %dma_start3A_124 = arith.constant 0 : i32
      %dma_start3A_125 = tpu.memref_slice %arg4[%add3A, %add3A_116, %dma_start3A_123, %dma_start3A_124] : memref<32x25x128x64xf32, #tpu.memory_space<hbm>> -> memref<1x1x128x64xf32, #tpu.memory_space<hbm>>
      %dma_start3A_126 = tpu.memref_squeeze %dma_start3A_125 : memref<1x1x128x64xf32, #tpu.memory_space<hbm>> -> memref<128x64xf32, #tpu.memory_space<hbm>>
      %dma_start3A_127 = arith.constant 0 : i32
      %dma_start3A_128 = arith.constant 0 : i32
      %dma_start3A_129 = tpu.memref_slice %arg4[%add3A, %add3A_116, %dma_start3A_127, %dma_start3A_128] : memref<32x25x128x64xf32, #tpu.memory_space<hbm>> -> memref<1x1x128x64xf32, #tpu.memory_space<hbm>>
      %dma_start3A_130 = tpu.memref_squeeze %dma_start3A_129 : memref<1x1x128x64xf32, #tpu.memory_space<hbm>> -> memref<128x64xf32, #tpu.memory_space<hbm>>
      tpu.enqueue_dma source(%arg8 : memref<128x64xf32, #tpu.memory_space<vmem>>) target(%dma_start3A_130 : memref<128x64xf32, #tpu.memory_space<hbm>>) target_semaphore(%arg18 : memref<!tpu.dma_semaphore, #tpu.memory_space<semaphore_mem>>)
      %add3A_131 = arith.constant 2 : i32
      %add3A_132 = arith.addi %add3A_116, %add3A_131 : i32
      %lt3A_133 = arith.constant 25 : i32
      %lt3A_134 = arith.cmpi slt, %add3A_132, %lt3A_133 : i32
      %convert_element_type3A_135 = arith.extui %lt3A_134 : i1 to i32
      %cond3A_136 = arith.constant 0 : i32
      %cond3A_137 = arith.cmpi ne, %convert_element_type3A_135, %cond3A_136 : i32
      scf.if %cond3A_137 {
        %ge3A = arith.constant 3 : i32
        %ge3A_189 = arith.cmpi sge, %add3A_116, %ge3A : i32
        %convert_element_type3A_190 = arith.extui %ge3A_189 : i1 to i32
        %cond3A_191 = arith.constant 0 : i32
        %cond3A_192 = arith.cmpi ne, %convert_element_type3A_190, %cond3A_191 : i32
        scf.if %cond3A_192 {
          %add3A_201 = arith.constant 2 : i32
          %add3A_202 = arith.addi %add3A_116, %add3A_201 : i32
          %sub3A = arith.constant 5 : i32
          %sub3A_203 = arith.subi %add3A_202, %sub3A : i32
          %dma_wait3A_204 = arith.constant 0 : i32
          %dma_wait3A_205 = arith.constant 0 : i32
          %dma_wait3A_206 = tpu.memref_slice %arg4[%add3A, %sub3A_203, %dma_wait3A_204, %dma_wait3A_205] : memref<32x25x128x64xf32, #tpu.memory_space<hbm>> -> memref<1x1x128x64xf32, #tpu.memory_space<hbm>>
          %dma_wait3A_207 = tpu.memref_squeeze %dma_wait3A_206 : memref<1x1x128x64xf32, #tpu.memory_space<hbm>> -> memref<128x64xf32, #tpu.memory_space<hbm>>
          %dma_wait3A_208 = arith.constant 0 : i32
          %dma_wait3A_209 = arith.constant 0 : i32
          %dma_wait3A_210 = tpu.memref_slice %arg4[%add3A, %sub3A_203, %dma_wait3A_208, %dma_wait3A_209] : memref<32x25x128x64xf32, #tpu.memory_space<hbm>> -> memref<1x1x128x64xf32, #tpu.memory_space<hbm>>
          %dma_wait3A_211 = tpu.memref_squeeze %dma_wait3A_210 : memref<1x1x128x64xf32, #tpu.memory_space<hbm>> -> memref<128x64xf32, #tpu.memory_space<hbm>>
          tpu.wait_dma2 semaphore(%arg20 : memref<!tpu.dma_semaphore, #tpu.memory_space<semaphore_mem>>) src(%arg10 : memref<128x64xf32, #tpu.memory_space<vmem>>) dst(%dma_wait3A_211 : memref<128x64xf32, #tpu.memory_space<hbm>>)
        } else {
        }
        %add3A_193 = arith.constant 2 : i32
        %add3A_194 = arith.addi %add3A_116, %add3A_193 : i32
        %dma_start3A_195 = arith.constant 0 : i32
        %dma_start3A_196 = tpu.memref_slice %arg5[%add3A_194, %dma_start3A_195] : memref<25x128xi32, #tpu.memory_space<vmem>> -> memref<1x128xi32, #tpu.memory_space<vmem>>
        %dma_start3A_197 = tpu.memref_squeeze %dma_start3A_196 : memref<1x128xi32, #tpu.memory_space<vmem>> -> memref<128xi32, #tpu.memory_space<vmem>>
        %dma_start3A_198 = arith.constant 0 : i32
        %dma_start3A_199 = arith.constant 0 : i32
        %dma_start3A_200 = tpu.memref_slice %arg3[%dma_start3A_198, %dma_start3A_199] : memref<1000000x64xf32, #tpu.memory_space<hbm>> -> memref<1000000x64xf32, #tpu.memory_space<hbm>>
        tpu.enqueue_indirect_dma source(%dma_start3A_200 : memref<1000000x64xf32, #tpu.memory_space<hbm>>) target(%arg10 : memref<128x64xf32, #tpu.memory_space<vmem>>) offsets(%dma_start3A_197 : memref<128xi32, #tpu.memory_space<vmem>>) semaphore(%arg15 : memref<!tpu.dma_semaphore, #tpu.memory_space<semaphore_mem>>)
      } else {
      }
      %mul3A_138 = arith.constant 5 : i32
      %mul3A_139 = arith.muli %scan3A_64, %mul3A_138 : i32
      %add3A_140 = arith.constant 3 : i32
      %add3A_141 = arith.addi %mul3A_139, %add3A_140 : i32
      %dma_wait3A_142 = arith.constant 0 : i32
      %dma_wait3A_143 = tpu.memref_slice %arg5[%add3A_141, %dma_wait3A_142] : memref<25x128xi32, #tpu.memory_space<vmem>> -> memref<1x128xi32, #tpu.memory_space<vmem>>
      %dma_wait3A_144 = tpu.memref_squeeze %dma_wait3A_143 : memref<1x128xi32, #tpu.memory_space<vmem>> -> memref<128xi32, #tpu.memory_space<vmem>>
      %dma_wait3A_145 = arith.constant 0 : i32
      %dma_wait3A_146 = arith.constant 0 : i32
      %dma_wait3A_147 = tpu.memref_slice %arg3[%dma_wait3A_145, %dma_wait3A_146] : memref<1000000x64xf32, #tpu.memory_space<hbm>> -> memref<1000000x64xf32, #tpu.memory_space<hbm>>
      tpu.wait_indirect_dma semaphore(%arg14 : memref<!tpu.dma_semaphore, #tpu.memory_space<semaphore_mem>>) src(%dma_wait3A_147 : memref<1000000x64xf32, #tpu.memory_space<hbm>>) dst(%arg9 : memref<128x64xf32, #tpu.memory_space<vmem>>)
      %dma_start3A_148 = arith.constant 0 : i32
      %dma_start3A_149 = arith.constant 0 : i32
      %dma_start3A_150 = tpu.memref_slice %arg4[%add3A, %add3A_141, %dma_start3A_148, %dma_start3A_149] : memref<32x25x128x64xf32, #tpu.memory_space<hbm>> -> memref<1x1x128x64xf32, #tpu.memory_space<hbm>>
      %dma_start3A_151 = tpu.memref_squeeze %dma_start3A_150 : memref<1x1x128x64xf32, #tpu.memory_space<hbm>> -> memref<128x64xf32, #tpu.memory_space<hbm>>
      %dma_start3A_152 = arith.constant 0 : i32
      %dma_start3A_153 = arith.constant 0 : i32
      %dma_start3A_154 = tpu.memref_slice %arg4[%add3A, %add3A_141, %dma_start3A_152, %dma_start3A_153] : memref<32x25x128x64xf32, #tpu.memory_space<hbm>> -> memref<1x1x128x64xf32, #tpu.memory_space<hbm>>
      %dma_start3A_155 = tpu.memref_squeeze %dma_start3A_154 : memref<1x1x128x64xf32, #tpu.memory_space<hbm>> -> memref<128x64xf32, #tpu.memory_space<hbm>>
      tpu.enqueue_dma source(%arg9 : memref<128x64xf32, #tpu.memory_space<vmem>>) target(%dma_start3A_155 : memref<128x64xf32, #tpu.memory_space<hbm>>) target_semaphore(%arg19 : memref<!tpu.dma_semaphore, #tpu.memory_space<semaphore_mem>>)
      %add3A_156 = arith.constant 2 : i32
      %add3A_157 = arith.addi %add3A_141, %add3A_156 : i32
      %lt3A_158 = arith.constant 25 : i32
      %lt3A_159 = arith.cmpi slt, %add3A_157, %lt3A_158 : i32
      %convert_element_type3A_160 = arith.extui %lt3A_159 : i1 to i32
      %cond3A_161 = arith.constant 0 : i32
      %cond3A_162 = arith.cmpi ne, %convert_element_type3A_160, %cond3A_161 : i32
      scf.if %cond3A_162 {
        %ge3A = arith.constant 3 : i32
        %ge3A_189 = arith.cmpi sge, %add3A_141, %ge3A : i32
        %convert_element_type3A_190 = arith.extui %ge3A_189 : i1 to i32
        %cond3A_191 = arith.constant 0 : i32
        %cond3A_192 = arith.cmpi ne, %convert_element_type3A_190, %cond3A_191 : i32
        scf.if %cond3A_192 {
          %add3A_201 = arith.constant 2 : i32
          %add3A_202 = arith.addi %add3A_141, %add3A_201 : i32
          %sub3A = arith.constant 5 : i32
          %sub3A_203 = arith.subi %add3A_202, %sub3A : i32
          %dma_wait3A_204 = arith.constant 0 : i32
          %dma_wait3A_205 = arith.constant 0 : i32
          %dma_wait3A_206 = tpu.memref_slice %arg4[%add3A, %sub3A_203, %dma_wait3A_204, %dma_wait3A_205] : memref<32x25x128x64xf32, #tpu.memory_space<hbm>> -> memref<1x1x128x64xf32, #tpu.memory_space<hbm>>
          %dma_wait3A_207 = tpu.memref_squeeze %dma_wait3A_206 : memref<1x1x128x64xf32, #tpu.memory_space<hbm>> -> memref<128x64xf32, #tpu.memory_space<hbm>>
          %dma_wait3A_208 = arith.constant 0 : i32
          %dma_wait3A_209 = arith.constant 0 : i32
          %dma_wait3A_210 = tpu.memref_slice %arg4[%add3A, %sub3A_203, %dma_wait3A_208, %dma_wait3A_209] : memref<32x25x128x64xf32, #tpu.memory_space<hbm>> -> memref<1x1x128x64xf32, #tpu.memory_space<hbm>>
          %dma_wait3A_211 = tpu.memref_squeeze %dma_wait3A_210 : memref<1x1x128x64xf32, #tpu.memory_space<hbm>> -> memref<128x64xf32, #tpu.memory_space<hbm>>
          tpu.wait_dma2 semaphore(%arg16 : memref<!tpu.dma_semaphore, #tpu.memory_space<semaphore_mem>>) src(%arg6 : memref<128x64xf32, #tpu.memory_space<vmem>>) dst(%dma_wait3A_211 : memref<128x64xf32, #tpu.memory_space<hbm>>)
        } else {
        }
        %add3A_193 = arith.constant 2 : i32
        %add3A_194 = arith.addi %add3A_141, %add3A_193 : i32
        %dma_start3A_195 = arith.constant 0 : i32
        %dma_start3A_196 = tpu.memref_slice %arg5[%add3A_194, %dma_start3A_195] : memref<25x128xi32, #tpu.memory_space<vmem>> -> memref<1x128xi32, #tpu.memory_space<vmem>>
        %dma_start3A_197 = tpu.memref_squeeze %dma_start3A_196 : memref<1x128xi32, #tpu.memory_space<vmem>> -> memref<128xi32, #tpu.memory_space<vmem>>
        %dma_start3A_198 = arith.constant 0 : i32
        %dma_start3A_199 = arith.constant 0 : i32
        %dma_start3A_200 = tpu.memref_slice %arg3[%dma_start3A_198, %dma_start3A_199] : memref<1000000x64xf32, #tpu.memory_space<hbm>> -> memref<1000000x64xf32, #tpu.memory_space<hbm>>
        tpu.enqueue_indirect_dma source(%dma_start3A_200 : memref<1000000x64xf32, #tpu.memory_space<hbm>>) target(%arg6 : memref<128x64xf32, #tpu.memory_space<vmem>>) offsets(%dma_start3A_197 : memref<128xi32, #tpu.memory_space<vmem>>) semaphore(%arg11 : memref<!tpu.dma_semaphore, #tpu.memory_space<semaphore_mem>>)
      } else {
      }
      %mul3A_163 = arith.constant 5 : i32
      %mul3A_164 = arith.muli %scan3A_64, %mul3A_163 : i32
      %add3A_165 = arith.constant 4 : i32
      %add3A_166 = arith.addi %mul3A_164, %add3A_165 : i32
      %dma_wait3A_167 = arith.constant 0 : i32
      %dma_wait3A_168 = tpu.memref_slice %arg5[%add3A_166, %dma_wait3A_167] : memref<25x128xi32, #tpu.memory_space<vmem>> -> memref<1x128xi32, #tpu.memory_space<vmem>>
      %dma_wait3A_169 = tpu.memref_squeeze %dma_wait3A_168 : memref<1x128xi32, #tpu.memory_space<vmem>> -> memref<128xi32, #tpu.memory_space<vmem>>
      %dma_wait3A_170 = arith.constant 0 : i32
      %dma_wait3A_171 = arith.constant 0 : i32
      %dma_wait3A_172 = tpu.memref_slice %arg3[%dma_wait3A_170, %dma_wait3A_171] : memref<1000000x64xf32, #tpu.memory_space<hbm>> -> memref<1000000x64xf32, #tpu.memory_space<hbm>>
      tpu.wait_indirect_dma semaphore(%arg15 : memref<!tpu.dma_semaphore, #tpu.memory_space<semaphore_mem>>) src(%dma_wait3A_172 : memref<1000000x64xf32, #tpu.memory_space<hbm>>) dst(%arg10 : memref<128x64xf32, #tpu.memory_space<vmem>>)
      %dma_start3A_173 = arith.constant 0 : i32
      %dma_start3A_174 = arith.constant 0 : i32
      %dma_start3A_175 = tpu.memref_slice %arg4[%add3A, %add3A_166, %dma_start3A_173, %dma_start3A_174] : memref<32x25x128x64xf32, #tpu.memory_space<hbm>> -> memref<1x1x128x64xf32, #tpu.memory_space<hbm>>
      %dma_start3A_176 = tpu.memref_squeeze %dma_start3A_175 : memref<1x1x128x64xf32, #tpu.memory_space<hbm>> -> memref<128x64xf32, #tpu.memory_space<hbm>>
      %dma_start3A_177 = arith.constant 0 : i32
      %dma_start3A_178 = arith.constant 0 : i32
      %dma_start3A_179 = tpu.memref_slice %arg4[%add3A, %add3A_166, %dma_start3A_177, %dma_start3A_178] : memref<32x25x128x64xf32, #tpu.memory_space<hbm>> -> memref<1x1x128x64xf32, #tpu.memory_space<hbm>>
      %dma_start3A_180 = tpu.memref_squeeze %dma_start3A_179 : memref<1x1x128x64xf32, #tpu.memory_space<hbm>> -> memref<128x64xf32, #tpu.memory_space<hbm>>
      tpu.enqueue_dma source(%arg10 : memref<128x64xf32, #tpu.memory_space<vmem>>) target(%dma_start3A_180 : memref<128x64xf32, #tpu.memory_space<hbm>>) target_semaphore(%arg20 : memref<!tpu.dma_semaphore, #tpu.memory_space<semaphore_mem>>)
      %add3A_181 = arith.constant 2 : i32
      %add3A_182 = arith.addi %add3A_166, %add3A_181 : i32
      %lt3A_183 = arith.constant 25 : i32
      %lt3A_184 = arith.cmpi slt, %add3A_182, %lt3A_183 : i32
      %convert_element_type3A_185 = arith.extui %lt3A_184 : i1 to i32
      %cond3A_186 = arith.constant 0 : i32
      %cond3A_187 = arith.cmpi ne, %convert_element_type3A_185, %cond3A_186 : i32
      scf.if %cond3A_187 {
        %ge3A = arith.constant 3 : i32
        %ge3A_189 = arith.cmpi sge, %add3A_166, %ge3A : i32
        %convert_element_type3A_190 = arith.extui %ge3A_189 : i1 to i32
        %cond3A_191 = arith.constant 0 : i32
        %cond3A_192 = arith.cmpi ne, %convert_element_type3A_190, %cond3A_191 : i32
        scf.if %cond3A_192 {
          %add3A_201 = arith.constant 2 : i32
          %add3A_202 = arith.addi %add3A_166, %add3A_201 : i32
          %sub3A = arith.constant 5 : i32
          %sub3A_203 = arith.subi %add3A_202, %sub3A : i32
          %dma_wait3A_204 = arith.constant 0 : i32
          %dma_wait3A_205 = arith.constant 0 : i32
          %dma_wait3A_206 = tpu.memref_slice %arg4[%add3A, %sub3A_203, %dma_wait3A_204, %dma_wait3A_205] : memref<32x25x128x64xf32, #tpu.memory_space<hbm>> -> memref<1x1x128x64xf32, #tpu.memory_space<hbm>>
          %dma_wait3A_207 = tpu.memref_squeeze %dma_wait3A_206 : memref<1x1x128x64xf32, #tpu.memory_space<hbm>> -> memref<128x64xf32, #tpu.memory_space<hbm>>
          %dma_wait3A_208 = arith.constant 0 : i32
          %dma_wait3A_209 = arith.constant 0 : i32
          %dma_wait3A_210 = tpu.memref_slice %arg4[%add3A, %sub3A_203, %dma_wait3A_208, %dma_wait3A_209] : memref<32x25x128x64xf32, #tpu.memory_space<hbm>> -> memref<1x1x128x64xf32, #tpu.memory_space<hbm>>
          %dma_wait3A_211 = tpu.memref_squeeze %dma_wait3A_210 : memref<1x1x128x64xf32, #tpu.memory_space<hbm>> -> memref<128x64xf32, #tpu.memory_space<hbm>>
          tpu.wait_dma2 semaphore(%arg17 : memref<!tpu.dma_semaphore, #tpu.memory_space<semaphore_mem>>) src(%arg7 : memref<128x64xf32, #tpu.memory_space<vmem>>) dst(%dma_wait3A_211 : memref<128x64xf32, #tpu.memory_space<hbm>>)
        } else {
        }
        %add3A_193 = arith.constant 2 : i32
        %add3A_194 = arith.addi %add3A_166, %add3A_193 : i32
        %dma_start3A_195 = arith.constant 0 : i32
        %dma_start3A_196 = tpu.memref_slice %arg5[%add3A_194, %dma_start3A_195] : memref<25x128xi32, #tpu.memory_space<vmem>> -> memref<1x128xi32, #tpu.memory_space<vmem>>
        %dma_start3A_197 = tpu.memref_squeeze %dma_start3A_196 : memref<1x128xi32, #tpu.memory_space<vmem>> -> memref<128xi32, #tpu.memory_space<vmem>>
        %dma_start3A_198 = arith.constant 0 : i32
        %dma_start3A_199 = arith.constant 0 : i32
        %dma_start3A_200 = tpu.memref_slice %arg3[%dma_start3A_198, %dma_start3A_199] : memref<1000000x64xf32, #tpu.memory_space<hbm>> -> memref<1000000x64xf32, #tpu.memory_space<hbm>>
        tpu.enqueue_indirect_dma source(%dma_start3A_200 : memref<1000000x64xf32, #tpu.memory_space<hbm>>) target(%arg7 : memref<128x64xf32, #tpu.memory_space<vmem>>) offsets(%dma_start3A_197 : memref<128xi32, #tpu.memory_space<vmem>>) semaphore(%arg12 : memref<!tpu.dma_semaphore, #tpu.memory_space<semaphore_mem>>)
      } else {
      }
      %scan3A_188 = arith.constant 0 : i32
      scf.yield %scan3A_188 : i32
    }
    %scan3A_19 = arith.constant 5 : i32
    %dma_wait3A = arith.constant 20 : i32
    %dma_wait3A_20 = arith.constant 0 : i32
    %dma_wait3A_21 = arith.constant 0 : i32
    %dma_wait3A_22 = tpu.memref_slice %arg4[%add3A, %dma_wait3A, %dma_wait3A_20, %dma_wait3A_21] : memref<32x25x128x64xf32, #tpu.memory_space<hbm>> -> memref<1x1x128x64xf32, #tpu.memory_space<hbm>>
    %dma_wait3A_23 = tpu.memref_squeeze %dma_wait3A_22 : memref<1x1x128x64xf32, #tpu.memory_space<hbm>> -> memref<128x64xf32, #tpu.memory_space<hbm>>
    %dma_wait3A_24 = arith.constant 0 : i32
    %dma_wait3A_25 = arith.constant 0 : i32
    %dma_wait3A_26 = tpu.memref_slice %arg4[%add3A, %dma_wait3A, %dma_wait3A_24, %dma_wait3A_25] : memref<32x25x128x64xf32, #tpu.memory_space<hbm>> -> memref<1x1x128x64xf32, #tpu.memory_space<hbm>>
    %dma_wait3A_27 = tpu.memref_squeeze %dma_wait3A_26 : memref<1x1x128x64xf32, #tpu.memory_space<hbm>> -> memref<128x64xf32, #tpu.memory_space<hbm>>
    tpu.wait_dma2 semaphore(%arg16 : memref<!tpu.dma_semaphore, #tpu.memory_space<semaphore_mem>>) src(%arg6 : memref<128x64xf32, #tpu.memory_space<vmem>>) dst(%dma_wait3A_27 : memref<128x64xf32, #tpu.memory_space<hbm>>)
    %dma_wait3A_28 = arith.constant 21 : i32
    %dma_wait3A_29 = arith.constant 0 : i32
    %dma_wait3A_30 = arith.constant 0 : i32
    %dma_wait3A_31 = tpu.memref_slice %arg4[%add3A, %dma_wait3A_28, %dma_wait3A_29, %dma_wait3A_30] : memref<32x25x128x64xf32, #tpu.memory_space<hbm>> -> memref<1x1x128x64xf32, #tpu.memory_space<hbm>>
    %dma_wait3A_32 = tpu.memref_squeeze %dma_wait3A_31 : memref<1x1x128x64xf32, #tpu.memory_space<hbm>> -> memref<128x64xf32, #tpu.memory_space<hbm>>
    %dma_wait3A_33 = arith.constant 0 : i32
    %dma_wait3A_34 = arith.constant 0 : i32
    %dma_wait3A_35 = tpu.memref_slice %arg4[%add3A, %dma_wait3A_28, %dma_wait3A_33, %dma_wait3A_34] : memref<32x25x128x64xf32, #tpu.memory_space<hbm>> -> memref<1x1x128x64xf32, #tpu.memory_space<hbm>>
    %dma_wait3A_36 = tpu.memref_squeeze %dma_wait3A_35 : memref<1x1x128x64xf32, #tpu.memory_space<hbm>> -> memref<128x64xf32, #tpu.memory_space<hbm>>
    tpu.wait_dma2 semaphore(%arg17 : memref<!tpu.dma_semaphore, #tpu.memory_space<semaphore_mem>>) src(%arg7 : memref<128x64xf32, #tpu.memory_space<vmem>>) dst(%dma_wait3A_36 : memref<128x64xf32, #tpu.memory_space<hbm>>)
    %dma_wait3A_37 = arith.constant 22 : i32
    %dma_wait3A_38 = arith.constant 0 : i32
    %dma_wait3A_39 = arith.constant 0 : i32
    %dma_wait3A_40 = tpu.memref_slice %arg4[%add3A, %dma_wait3A_37, %dma_wait3A_38, %dma_wait3A_39] : memref<32x25x128x64xf32, #tpu.memory_space<hbm>> -> memref<1x1x128x64xf32, #tpu.memory_space<hbm>>
    %dma_wait3A_41 = tpu.memref_squeeze %dma_wait3A_40 : memref<1x1x128x64xf32, #tpu.memory_space<hbm>> -> memref<128x64xf32, #tpu.memory_space<hbm>>
    %dma_wait3A_42 = arith.constant 0 : i32
    %dma_wait3A_43 = arith.constant 0 : i32
    %dma_wait3A_44 = tpu.memref_slice %arg4[%add3A, %dma_wait3A_37, %dma_wait3A_42, %dma_wait3A_43] : memref<32x25x128x64xf32, #tpu.memory_space<hbm>> -> memref<1x1x128x64xf32, #tpu.memory_space<hbm>>
    %dma_wait3A_45 = tpu.memref_squeeze %dma_wait3A_44 : memref<1x1x128x64xf32, #tpu.memory_space<hbm>> -> memref<128x64xf32, #tpu.memory_space<hbm>>
    tpu.wait_dma2 semaphore(%arg18 : memref<!tpu.dma_semaphore, #tpu.memory_space<semaphore_mem>>) src(%arg8 : memref<128x64xf32, #tpu.memory_space<vmem>>) dst(%dma_wait3A_45 : memref<128x64xf32, #tpu.memory_space<hbm>>)
    %dma_wait3A_46 = arith.constant 23 : i32
    %dma_wait3A_47 = arith.constant 0 : i32
    %dma_wait3A_48 = arith.constant 0 : i32
    %dma_wait3A_49 = tpu.memref_slice %arg4[%add3A, %dma_wait3A_46, %dma_wait3A_47, %dma_wait3A_48] : memref<32x25x128x64xf32, #tpu.memory_space<hbm>> -> memref<1x1x128x64xf32, #tpu.memory_space<hbm>>
    %dma_wait3A_50 = tpu.memref_squeeze %dma_wait3A_49 : memref<1x1x128x64xf32, #tpu.memory_space<hbm>> -> memref<128x64xf32, #tpu.memory_space<hbm>>
    %dma_wait3A_51 = arith.constant 0 : i32
    %dma_wait3A_52 = arith.constant 0 : i32
    %dma_wait3A_53 = tpu.memref_slice %arg4[%add3A, %dma_wait3A_46, %dma_wait3A_51, %dma_wait3A_52] : memref<32x25x128x64xf32, #tpu.memory_space<hbm>> -> memref<1x1x128x64xf32, #tpu.memory_space<hbm>>
    %dma_wait3A_54 = tpu.memref_squeeze %dma_wait3A_53 : memref<1x1x128x64xf32, #tpu.memory_space<hbm>> -> memref<128x64xf32, #tpu.memory_space<hbm>>
    tpu.wait_dma2 semaphore(%arg19 : memref<!tpu.dma_semaphore, #tpu.memory_space<semaphore_mem>>) src(%arg9 : memref<128x64xf32, #tpu.memory_space<vmem>>) dst(%dma_wait3A_54 : memref<128x64xf32, #tpu.memory_space<hbm>>)
    %dma_wait3A_55 = arith.constant 24 : i32
    %dma_wait3A_56 = arith.constant 0 : i32
    %dma_wait3A_57 = arith.constant 0 : i32
    %dma_wait3A_58 = tpu.memref_slice %arg4[%add3A, %dma_wait3A_55, %dma_wait3A_56, %dma_wait3A_57] : memref<32x25x128x64xf32, #tpu.memory_space<hbm>> -> memref<1x1x128x64xf32, #tpu.memory_space<hbm>>
    %dma_wait3A_59 = tpu.memref_squeeze %dma_wait3A_58 : memref<1x1x128x64xf32, #tpu.memory_space<hbm>> -> memref<128x64xf32, #tpu.memory_space<hbm>>
    %dma_wait3A_60 = arith.constant 0 : i32
    %dma_wait3A_61 = arith.constant 0 : i32
    %dma_wait3A_62 = tpu.memref_slice %arg4[%add3A, %dma_wait3A_55, %dma_wait3A_60, %dma_wait3A_61] : memref<32x25x128x64xf32, #tpu.memory_space<hbm>> -> memref<1x1x128x64xf32, #tpu.memory_space<hbm>>
    %dma_wait3A_63 = tpu.memref_squeeze %dma_wait3A_62 : memref<1x1x128x64xf32, #tpu.memory_space<hbm>> -> memref<128x64xf32, #tpu.memory_space<hbm>>
    tpu.wait_dma2 semaphore(%arg20 : memref<!tpu.dma_semaphore, #tpu.memory_space<semaphore_mem>>) src(%arg10 : memref<128x64xf32, #tpu.memory_space<vmem>>) dst(%dma_wait3A_63 : memref<128x64xf32, #tpu.memory_space<hbm>>)
    return
  }
}

#map = affine_map<(d0, d1) -> (0, 0, 0)>
#map1 = affine_map<(d0, d1) -> (0, 0)>
#map2 = affine_map<(d0, d1) -> (0, 0, 0, 0)>
module attributes {stable_mosaic.version = 14 : i64} {
  func.func @_sc_gather(%arg0: i32, %arg1: i32, %arg2: memref<32x25x128xi32, #tpu.memory_space<hbm>>, %arg3: memref<1000000x64xf32, #tpu.memory_space<hbm>>, %arg4: memref<32x25x128x64xf32, #tpu.memory_space<hbm>>, %arg5: memref<25x128xi32, #tpu.memory_space<vmem>>, %arg6: memref<128x64xf32, #tpu.memory_space<vmem>>, %arg7: memref<128x64xf32, #tpu.memory_space<vmem>>, %arg8: memref<128x64xf32, #tpu.memory_space<vmem>>, %arg9: memref<128x64xf32, #tpu.memory_space<vmem>>, %arg10: memref<128x64xf32, #tpu.memory_space<vmem>>, %arg11: memref<!tpu.dma_semaphore, #tpu.memory_space<semaphore_mem>>, %arg12: memref<!tpu.dma_semaphore, #tpu.memory_space<semaphore_mem>>, %arg13: memref<!tpu.dma_semaphore, #tpu.memory_space<semaphore_mem>>, %arg14: memref<!tpu.dma_semaphore, #tpu.memory_space<semaphore_mem>>, %arg15: memref<!tpu.dma_semaphore, #tpu.memory_space<semaphore_mem>>, %arg16: memref<!tpu.dma_semaphore, #tpu.memory_space<semaphore_mem>>, %arg17: memref<!tpu.dma_semaphore, #tpu.memory_space<semaphore_mem>>, %arg18: memref<!tpu.dma_semaphore, #tpu.memory_space<semaphore_mem>>, %arg19: memref<!tpu.dma_semaphore, #tpu.memory_space<semaphore_mem>>, %arg20: memref<!tpu.dma_semaphore, #tpu.memory_space<semaphore_mem>>) attributes {dimension_semantics = [#tpu.dimension_semantics<core_parallel>, #tpu.dimension_semantics<subcore_parallel>], iteration_bounds = array<i64: 2, 16>, scalar_prefetch = 0 : i64, scratch_operands = 16 : i64, tpu.core_type = #tpu.core_type<sc_vector_subcore>, window_params = [{transform_indices = #map}, {transform_indices = #map1}, {transform_indices = #map2}]} {
    %mul3A = arith.constant 2 : i32
    %mul3A_0 = arith.muli %arg1, %mul3A : i32
    %add3A = arith.addi %mul3A_0, %arg0 : i32
    "tpu.region"() ({
      %run_scoped3A = tpu.sem_alloc : memref<!tpu.dma_semaphore, #tpu.memory_space<semaphore_mem>>
      %dma_start3A_64 = arith.constant 0 : i32
      %dma_start3A_65 = arith.constant 0 : i32
      %dma_start3A_66 = tpu.memref_slice %arg2[%add3A, %dma_start3A_64, %dma_start3A_65] : memref<32x25x128xi32, #tpu.memory_space<hbm>> -> memref<1x25x128xi32, #tpu.memory_space<hbm>>
      %dma_start3A_67 = tpu.memref_squeeze %dma_start3A_66 : memref<1x25x128xi32, #tpu.memory_space<hbm>> -> memref<25x128xi32, #tpu.memory_space<hbm>>
      %dma_start3A_68 = arith.constant 0 : i32
      %dma_start3A_69 = arith.constant 0 : i32
      %dma_start3A_70 = tpu.memref_slice %arg2[%add3A, %dma_start3A_68, %dma_start3A_69] : memref<32x25x128xi32, #tpu.memory_space<hbm>> -> memref<1x25x128xi32, #tpu.memory_space<hbm>>
      %dma_start3A_71 = tpu.memref_squeeze %dma_start3A_70 : memref<1x25x128xi32, #tpu.memory_space<hbm>> -> memref<25x128xi32, #tpu.memory_space<hbm>>
      tpu.enqueue_dma source(%dma_start3A_71 : memref<25x128xi32, #tpu.memory_space<hbm>>) target(%arg5 : memref<25x128xi32, #tpu.memory_space<vmem>>) target_semaphore(%run_scoped3A : memref<!tpu.dma_semaphore, #tpu.memory_space<semaphore_mem>>)
      %dma_wait3A_72 = arith.constant 0 : i32
      %dma_wait3A_73 = arith.constant 0 : i32
      %dma_wait3A_74 = tpu.memref_slice %arg2[%add3A, %dma_wait3A_72, %dma_wait3A_73] : memref<32x25x128xi32, #tpu.memory_space<hbm>> -> memref<1x25x128xi32, #tpu.memory_space<hbm>>
      %dma_wait3A_75 = tpu.memref_squeeze %dma_wait3A_74 : memref<1x25x128xi32, #tpu.memory_space<hbm>> -> memref<25x128xi32, #tpu.memory_space<hbm>>
      %dma_wait3A_76 = arith.constant 0 : i32
      %dma_wait3A_77 = arith.constant 0 : i32
      %dma_wait3A_78 = tpu.memref_slice %arg2[%add3A, %dma_wait3A_76, %dma_wait3A_77] : memref<32x25x128xi32, #tpu.memory_space<hbm>> -> memref<1x25x128xi32, #tpu.memory_space<hbm>>
      %dma_wait3A_79 = tpu.memref_squeeze %dma_wait3A_78 : memref<1x25x128xi32, #tpu.memory_space<hbm>> -> memref<25x128xi32, #tpu.memory_space<hbm>>
      tpu.wait_dma2 semaphore(%run_scoped3A : memref<!tpu.dma_semaphore, #tpu.memory_space<semaphore_mem>>) src(%dma_wait3A_79 : memref<25x128xi32, #tpu.memory_space<hbm>>) dst(%arg5 : memref<25x128xi32, #tpu.memory_space<vmem>>)
      tpu.yield
    }) : () -> ()
    %dma_start3A = arith.constant 0 : i32
    %dma_start3A_1 = arith.constant 0 : i32
    %dma_start3A_2 = tpu.memref_slice %arg5[%dma_start3A, %dma_start3A_1] : memref<25x128xi32, #tpu.memory_space<vmem>> -> memref<1x128xi32, #tpu.memory_space<vmem>>
    %dma_start3A_3 = tpu.memref_squeeze %dma_start3A_2 : memref<1x128xi32, #tpu.memory_space<vmem>> -> memref<128xi32, #tpu.memory_space<vmem>>
    %dma_start3A_4 = arith.constant 0 : i32
    %dma_start3A_5 = arith.constant 0 : i32
    %dma_start3A_6 = tpu.memref_slice %arg3[%dma_start3A_4, %dma_start3A_5] : memref<1000000x64xf32, #tpu.memory_space<hbm>> -> memref<1000000x64xf32, #tpu.memory_space<hbm>>
    tpu.enqueue_indirect_dma source(%dma_start3A_6 : memref<1000000x64xf32, #tpu.memory_space<hbm>>) target(%arg6 : memref<128x64xf32, #tpu.memory_space<vmem>>) offsets(%dma_start3A_3 : memref<128xi32, #tpu.memory_space<vmem>>) semaphore(%arg11 : memref<!tpu.dma_semaphore, #tpu.memory_space<semaphore_mem>>)
    %dma_start3A_7 = arith.constant 1 : i32
    %dma_start3A_8 = arith.constant 0 : i32
    %dma_start3A_9 = tpu.memref_slice %arg5[%dma_start3A_7, %dma_start3A_8] : memref<25x128xi32, #tpu.memory_space<vmem>> -> memref<1x128xi32, #tpu.memory_space<vmem>>
    %dma_start3A_10 = tpu.memref_squeeze %dma_start3A_9 : memref<1x128xi32, #tpu.memory_space<vmem>> -> memref<128xi32, #tpu.memory_space<vmem>>
    %dma_start3A_11 = arith.constant 0 : i32
    %dma_start3A_12 = arith.constant 0 : i32
    %dma_start3A_13 = tpu.memref_slice %arg3[%dma_start3A_11, %dma_start3A_12] : memref<1000000x64xf32, #tpu.memory_space<hbm>> -> memref<1000000x64xf32, #tpu.memory_space<hbm>>
    tpu.enqueue_indirect_dma source(%dma_start3A_13 : memref<1000000x64xf32, #tpu.memory_space<hbm>>) target(%arg7 : memref<128x64xf32, #tpu.memory_space<vmem>>) offsets(%dma_start3A_10 : memref<128xi32, #tpu.memory_space<vmem>>) semaphore(%arg12 : memref<!tpu.dma_semaphore, #tpu.memory_space<semaphore_mem>>)
    %scan3A = arith.constant 0 : i32
    %scan3A_14 = arith.constant 0 : i32
    %scan3A_15 = arith.constant 5 : i32
    %scan3A_16 = arith.addi %scan3A_14, %scan3A_15 : i32
    %scan3A_17 = arith.constant 1 : i32
    %scan3A_18 = scf.for %scan3A_64 = %scan3A_14 to %scan3A_16 step %scan3A_17 iter_args(%scan3A_65 = %scan3A) -> (i32)  : i32 {
      %mul3A_66 = arith.constant 5 : i32
      %mul3A_67 = arith.muli %scan3A_64, %mul3A_66 : i32
      %add3A_68 = arith.constant 0 : i32
      %add3A_69 = arith.addi %mul3A_67, %add3A_68 : i32
      %dma_wait3A_70 = arith.constant 0 : i32
      %dma_wait3A_71 = tpu.memref_slice %arg5[%add3A_69, %dma_wait3A_70] : memref<25x128xi32, #tpu.memory_space<vmem>> -> memref<1x128xi32, #tpu.memory_space<vmem>>
      %dma_wait3A_72 = tpu.memref_squeeze %dma_wait3A_71 : memref<1x128xi32, #tpu.memory_space<vmem>> -> memref<128xi32, #tpu.memory_space<vmem>>
      %dma_wait3A_73 = arith.constant 0 : i32
      %dma_wait3A_74 = arith.constant 0 : i32
      %dma_wait3A_75 = tpu.memref_slice %arg3[%dma_wait3A_73, %dma_wait3A_74] : memref<1000000x64xf32, #tpu.memory_space<hbm>> -> memref<1000000x64xf32, #tpu.memory_space<hbm>>
      tpu.wait_indirect_dma semaphore(%arg11 : memref<!tpu.dma_semaphore, #tpu.memory_space<semaphore_mem>>) src(%dma_wait3A_75 : memref<1000000x64xf32, #tpu.memory_space<hbm>>) dst(%arg6 : memref<128x64xf32, #tpu.memory_space<vmem>>)
      %dma_start3A_76 = arith.constant 0 : i32
      %dma_start3A_77 = arith.constant 0 : i32
      %dma_start3A_78 = tpu.memref_slice %arg4[%add3A, %add3A_69, %dma_start3A_76, %dma_start3A_77] : memref<32x25x128x64xf32, #tpu.memory_space<hbm>> -> memref<1x1x128x64xf32, #tpu.memory_space<hbm>>
      %dma_start3A_79 = tpu.memref_squeeze %dma_start3A_78 : memref<1x1x128x64xf32, #tpu.memory_space<hbm>> -> memref<128x64xf32, #tpu.memory_space<hbm>>
      %dma_start3A_80 = arith.constant 0 : i32
      %dma_start3A_81 = arith.constant 0 : i32
      %dma_start3A_82 = tpu.memref_slice %arg4[%add3A, %add3A_69, %dma_start3A_80, %dma_start3A_81] : memref<32x25x128x64xf32, #tpu.memory_space<hbm>> -> memref<1x1x128x64xf32, #tpu.memory_space<hbm>>
      %dma_start3A_83 = tpu.memref_squeeze %dma_start3A_82 : memref<1x1x128x64xf32, #tpu.memory_space<hbm>> -> memref<128x64xf32, #tpu.memory_space<hbm>>
      tpu.enqueue_dma source(%arg6 : memref<128x64xf32, #tpu.memory_space<vmem>>) target(%dma_start3A_83 : memref<128x64xf32, #tpu.memory_space<hbm>>) target_semaphore(%arg16 : memref<!tpu.dma_semaphore, #tpu.memory_space<semaphore_mem>>)
      %add3A_84 = arith.constant 2 : i32
      %add3A_85 = arith.addi %add3A_69, %add3A_84 : i32
      %lt3A = arith.constant 25 : i32
      %lt3A_86 = arith.cmpi slt, %add3A_85, %lt3A : i32
      %convert_element_type3A = arith.extui %lt3A_86 : i1 to i32
      %cond3A = arith.constant 0 : i32
      %cond3A_87 = arith.cmpi ne, %convert_element_type3A, %cond3A : i32
      scf.if %cond3A_87 {
        %ge3A = arith.constant 3 : i32
        %ge3A_189 = arith.cmpi sge, %add3A_69, %ge3A : i32
        %convert_element_type3A_190 = arith.extui %ge3A_189 : i1 to i32
        %cond3A_191 = arith.constant 0 : i32
        %cond3A_192 = arith.cmpi ne, %convert_element_type3A_190, %cond3A_191 : i32
        scf.if %cond3A_192 {
          %add3A_201 = arith.constant 2 : i32
          %add3A_202 = arith.addi %add3A_69, %add3A_201 : i32
          %sub3A = arith.constant 5 : i32
          %sub3A_203 = arith.subi %add3A_202, %sub3A : i32
          %dma_wait3A_204 = arith.constant 0 : i32
          %dma_wait3A_205 = arith.constant 0 : i32
          %dma_wait3A_206 = tpu.memref_slice %arg4[%add3A, %sub3A_203, %dma_wait3A_204, %dma_wait3A_205] : memref<32x25x128x64xf32, #tpu.memory_space<hbm>> -> memref<1x1x128x64xf32, #tpu.memory_space<hbm>>
          %dma_wait3A_207 = tpu.memref_squeeze %dma_wait3A_206 : memref<1x1x128x64xf32, #tpu.memory_space<hbm>> -> memref<128x64xf32, #tpu.memory_space<hbm>>
          %dma_wait3A_208 = arith.constant 0 : i32
          %dma_wait3A_209 = arith.constant 0 : i32
          %dma_wait3A_210 = tpu.memref_slice %arg4[%add3A, %sub3A_203, %dma_wait3A_208, %dma_wait3A_209] : memref<32x25x128x64xf32, #tpu.memory_space<hbm>> -> memref<1x1x128x64xf32, #tpu.memory_space<hbm>>
          %dma_wait3A_211 = tpu.memref_squeeze %dma_wait3A_210 : memref<1x1x128x64xf32, #tpu.memory_space<hbm>> -> memref<128x64xf32, #tpu.memory_space<hbm>>
          tpu.wait_dma2 semaphore(%arg18 : memref<!tpu.dma_semaphore, #tpu.memory_space<semaphore_mem>>) src(%arg8 : memref<128x64xf32, #tpu.memory_space<vmem>>) dst(%dma_wait3A_211 : memref<128x64xf32, #tpu.memory_space<hbm>>)
        } else {
        }
        %add3A_193 = arith.constant 2 : i32
        %add3A_194 = arith.addi %add3A_69, %add3A_193 : i32
        %dma_start3A_195 = arith.constant 0 : i32
        %dma_start3A_196 = tpu.memref_slice %arg5[%add3A_194, %dma_start3A_195] : memref<25x128xi32, #tpu.memory_space<vmem>> -> memref<1x128xi32, #tpu.memory_space<vmem>>
        %dma_start3A_197 = tpu.memref_squeeze %dma_start3A_196 : memref<1x128xi32, #tpu.memory_space<vmem>> -> memref<128xi32, #tpu.memory_space<vmem>>
        %dma_start3A_198 = arith.constant 0 : i32
        %dma_start3A_199 = arith.constant 0 : i32
        %dma_start3A_200 = tpu.memref_slice %arg3[%dma_start3A_198, %dma_start3A_199] : memref<1000000x64xf32, #tpu.memory_space<hbm>> -> memref<1000000x64xf32, #tpu.memory_space<hbm>>
        tpu.enqueue_indirect_dma source(%dma_start3A_200 : memref<1000000x64xf32, #tpu.memory_space<hbm>>) target(%arg8 : memref<128x64xf32, #tpu.memory_space<vmem>>) offsets(%dma_start3A_197 : memref<128xi32, #tpu.memory_space<vmem>>) semaphore(%arg13 : memref<!tpu.dma_semaphore, #tpu.memory_space<semaphore_mem>>)
      } else {
      }
      %mul3A_88 = arith.constant 5 : i32
      %mul3A_89 = arith.muli %scan3A_64, %mul3A_88 : i32
      %add3A_90 = arith.constant 1 : i32
      %add3A_91 = arith.addi %mul3A_89, %add3A_90 : i32
      %dma_wait3A_92 = arith.constant 0 : i32
      %dma_wait3A_93 = tpu.memref_slice %arg5[%add3A_91, %dma_wait3A_92] : memref<25x128xi32, #tpu.memory_space<vmem>> -> memref<1x128xi32, #tpu.memory_space<vmem>>
      %dma_wait3A_94 = tpu.memref_squeeze %dma_wait3A_93 : memref<1x128xi32, #tpu.memory_space<vmem>> -> memref<128xi32, #tpu.memory_space<vmem>>
      %dma_wait3A_95 = arith.constant 0 : i32
      %dma_wait3A_96 = arith.constant 0 : i32
      %dma_wait3A_97 = tpu.memref_slice %arg3[%dma_wait3A_95, %dma_wait3A_96] : memref<1000000x64xf32, #tpu.memory_space<hbm>> -> memref<1000000x64xf32, #tpu.memory_space<hbm>>
      tpu.wait_indirect_dma semaphore(%arg12 : memref<!tpu.dma_semaphore, #tpu.memory_space<semaphore_mem>>) src(%dma_wait3A_97 : memref<1000000x64xf32, #tpu.memory_space<hbm>>) dst(%arg7 : memref<128x64xf32, #tpu.memory_space<vmem>>)
      %dma_start3A_98 = arith.constant 0 : i32
      %dma_start3A_99 = arith.constant 0 : i32
      %dma_start3A_100 = tpu.memref_slice %arg4[%add3A, %add3A_91, %dma_start3A_98, %dma_start3A_99] : memref<32x25x128x64xf32, #tpu.memory_space<hbm>> -> memref<1x1x128x64xf32, #tpu.memory_space<hbm>>
      %dma_start3A_101 = tpu.memref_squeeze %dma_start3A_100 : memref<1x1x128x64xf32, #tpu.memory_space<hbm>> -> memref<128x64xf32, #tpu.memory_space<hbm>>
      %dma_start3A_102 = arith.constant 0 : i32
      %dma_start3A_103 = arith.constant 0 : i32
      %dma_start3A_104 = tpu.memref_slice %arg4[%add3A, %add3A_91, %dma_start3A_102, %dma_start3A_103] : memref<32x25x128x64xf32, #tpu.memory_space<hbm>> -> memref<1x1x128x64xf32, #tpu.memory_space<hbm>>
      %dma_start3A_105 = tpu.memref_squeeze %dma_start3A_104 : memref<1x1x128x64xf32, #tpu.memory_space<hbm>> -> memref<128x64xf32, #tpu.memory_space<hbm>>
      tpu.enqueue_dma source(%arg7 : memref<128x64xf32, #tpu.memory_space<vmem>>) target(%dma_start3A_105 : memref<128x64xf32, #tpu.memory_space<hbm>>) target_semaphore(%arg17 : memref<!tpu.dma_semaphore, #tpu.memory_space<semaphore_mem>>)
      %add3A_106 = arith.constant 2 : i32
      %add3A_107 = arith.addi %add3A_91, %add3A_106 : i32
      %lt3A_108 = arith.constant 25 : i32
      %lt3A_109 = arith.cmpi slt, %add3A_107, %lt3A_108 : i32
      %convert_element_type3A_110 = arith.extui %lt3A_109 : i1 to i32
      %cond3A_111 = arith.constant 0 : i32
      %cond3A_112 = arith.cmpi ne, %convert_element_type3A_110, %cond3A_111 : i32
      scf.if %cond3A_112 {
        %ge3A = arith.constant 3 : i32
        %ge3A_189 = arith.cmpi sge, %add3A_91, %ge3A : i32
        %convert_element_type3A_190 = arith.extui %ge3A_189 : i1 to i32
        %cond3A_191 = arith.constant 0 : i32
        %cond3A_192 = arith.cmpi ne, %convert_element_type3A_190, %cond3A_191 : i32
        scf.if %cond3A_192 {
          %add3A_201 = arith.constant 2 : i32
          %add3A_202 = arith.addi %add3A_91, %add3A_201 : i32
          %sub3A = arith.constant 5 : i32
          %sub3A_203 = arith.subi %add3A_202, %sub3A : i32
          %dma_wait3A_204 = arith.constant 0 : i32
          %dma_wait3A_205 = arith.constant 0 : i32
          %dma_wait3A_206 = tpu.memref_slice %arg4[%add3A, %sub3A_203, %dma_wait3A_204, %dma_wait3A_205] : memref<32x25x128x64xf32, #tpu.memory_space<hbm>> -> memref<1x1x128x64xf32, #tpu.memory_space<hbm>>
          %dma_wait3A_207 = tpu.memref_squeeze %dma_wait3A_206 : memref<1x1x128x64xf32, #tpu.memory_space<hbm>> -> memref<128x64xf32, #tpu.memory_space<hbm>>
          %dma_wait3A_208 = arith.constant 0 : i32
          %dma_wait3A_209 = arith.constant 0 : i32
          %dma_wait3A_210 = tpu.memref_slice %arg4[%add3A, %sub3A_203, %dma_wait3A_208, %dma_wait3A_209] : memref<32x25x128x64xf32, #tpu.memory_space<hbm>> -> memref<1x1x128x64xf32, #tpu.memory_space<hbm>>
          %dma_wait3A_211 = tpu.memref_squeeze %dma_wait3A_210 : memref<1x1x128x64xf32, #tpu.memory_space<hbm>> -> memref<128x64xf32, #tpu.memory_space<hbm>>
          tpu.wait_dma2 semaphore(%arg19 : memref<!tpu.dma_semaphore, #tpu.memory_space<semaphore_mem>>) src(%arg9 : memref<128x64xf32, #tpu.memory_space<vmem>>) dst(%dma_wait3A_211 : memref<128x64xf32, #tpu.memory_space<hbm>>)
        } else {
        }
        %add3A_193 = arith.constant 2 : i32
        %add3A_194 = arith.addi %add3A_91, %add3A_193 : i32
        %dma_start3A_195 = arith.constant 0 : i32
        %dma_start3A_196 = tpu.memref_slice %arg5[%add3A_194, %dma_start3A_195] : memref<25x128xi32, #tpu.memory_space<vmem>> -> memref<1x128xi32, #tpu.memory_space<vmem>>
        %dma_start3A_197 = tpu.memref_squeeze %dma_start3A_196 : memref<1x128xi32, #tpu.memory_space<vmem>> -> memref<128xi32, #tpu.memory_space<vmem>>
        %dma_start3A_198 = arith.constant 0 : i32
        %dma_start3A_199 = arith.constant 0 : i32
        %dma_start3A_200 = tpu.memref_slice %arg3[%dma_start3A_198, %dma_start3A_199] : memref<1000000x64xf32, #tpu.memory_space<hbm>> -> memref<1000000x64xf32, #tpu.memory_space<hbm>>
        tpu.enqueue_indirect_dma source(%dma_start3A_200 : memref<1000000x64xf32, #tpu.memory_space<hbm>>) target(%arg9 : memref<128x64xf32, #tpu.memory_space<vmem>>) offsets(%dma_start3A_197 : memref<128xi32, #tpu.memory_space<vmem>>) semaphore(%arg14 : memref<!tpu.dma_semaphore, #tpu.memory_space<semaphore_mem>>)
      } else {
      }
      %mul3A_113 = arith.constant 5 : i32
      %mul3A_114 = arith.muli %scan3A_64, %mul3A_113 : i32
      %add3A_115 = arith.constant 2 : i32
      %add3A_116 = arith.addi %mul3A_114, %add3A_115 : i32
      %dma_wait3A_117 = arith.constant 0 : i32
      %dma_wait3A_118 = tpu.memref_slice %arg5[%add3A_116, %dma_wait3A_117] : memref<25x128xi32, #tpu.memory_space<vmem>> -> memref<1x128xi32, #tpu.memory_space<vmem>>
      %dma_wait3A_119 = tpu.memref_squeeze %dma_wait3A_118 : memref<1x128xi32, #tpu.memory_space<vmem>> -> memref<128xi32, #tpu.memory_space<vmem>>
      %dma_wait3A_120 = arith.constant 0 : i32
      %dma_wait3A_121 = arith.constant 0 : i32
      %dma_wait3A_122 = tpu.memref_slice %arg3[%dma_wait3A_120, %dma_wait3A_121] : memref<1000000x64xf32, #tpu.memory_space<hbm>> -> memref<1000000x64xf32, #tpu.memory_space<hbm>>
      tpu.wait_indirect_dma semaphore(%arg13 : memref<!tpu.dma_semaphore, #tpu.memory_space<semaphore_mem>>) src(%dma_wait3A_122 : memref<1000000x64xf32, #tpu.memory_space<hbm>>) dst(%arg8 : memref<128x64xf32, #tpu.memory_space<vmem>>)
      %dma_start3A_123 = arith.constant 0 : i32
      %dma_start3A_124 = arith.constant 0 : i32
      %dma_start3A_125 = tpu.memref_slice %arg4[%add3A, %add3A_116, %dma_start3A_123, %dma_start3A_124] : memref<32x25x128x64xf32, #tpu.memory_space<hbm>> -> memref<1x1x128x64xf32, #tpu.memory_space<hbm>>
      %dma_start3A_126 = tpu.memref_squeeze %dma_start3A_125 : memref<1x1x128x64xf32, #tpu.memory_space<hbm>> -> memref<128x64xf32, #tpu.memory_space<hbm>>
      %dma_start3A_127 = arith.constant 0 : i32
      %dma_start3A_128 = arith.constant 0 : i32
      %dma_start3A_129 = tpu.memref_slice %arg4[%add3A, %add3A_116, %dma_start3A_127, %dma_start3A_128] : memref<32x25x128x64xf32, #tpu.memory_space<hbm>> -> memref<1x1x128x64xf32, #tpu.memory_space<hbm>>
      %dma_start3A_130 = tpu.memref_squeeze %dma_start3A_129 : memref<1x1x128x64xf32, #tpu.memory_space<hbm>> -> memref<128x64xf32, #tpu.memory_space<hbm>>
      tpu.enqueue_dma source(%arg8 : memref<128x64xf32, #tpu.memory_space<vmem>>) target(%dma_start3A_130 : memref<128x64xf32, #tpu.memory_space<hbm>>) target_semaphore(%arg18 : memref<!tpu.dma_semaphore, #tpu.memory_space<semaphore_mem>>)
      %add3A_131 = arith.constant 2 : i32
      %add3A_132 = arith.addi %add3A_116, %add3A_131 : i32
      %lt3A_133 = arith.constant 25 : i32
      %lt3A_134 = arith.cmpi slt, %add3A_132, %lt3A_133 : i32
      %convert_element_type3A_135 = arith.extui %lt3A_134 : i1 to i32
      %cond3A_136 = arith.constant 0 : i32
      %cond3A_137 = arith.cmpi ne, %convert_element_type3A_135, %cond3A_136 : i32
      scf.if %cond3A_137 {
        %ge3A = arith.constant 3 : i32
        %ge3A_189 = arith.cmpi sge, %add3A_116, %ge3A : i32
        %convert_element_type3A_190 = arith.extui %ge3A_189 : i1 to i32
        %cond3A_191 = arith.constant 0 : i32
        %cond3A_192 = arith.cmpi ne, %convert_element_type3A_190, %cond3A_191 : i32
        scf.if %cond3A_192 {
          %add3A_201 = arith.constant 2 : i32
          %add3A_202 = arith.addi %add3A_116, %add3A_201 : i32
          %sub3A = arith.constant 5 : i32
          %sub3A_203 = arith.subi %add3A_202, %sub3A : i32
          %dma_wait3A_204 = arith.constant 0 : i32
          %dma_wait3A_205 = arith.constant 0 : i32
          %dma_wait3A_206 = tpu.memref_slice %arg4[%add3A, %sub3A_203, %dma_wait3A_204, %dma_wait3A_205] : memref<32x25x128x64xf32, #tpu.memory_space<hbm>> -> memref<1x1x128x64xf32, #tpu.memory_space<hbm>>
          %dma_wait3A_207 = tpu.memref_squeeze %dma_wait3A_206 : memref<1x1x128x64xf32, #tpu.memory_space<hbm>> -> memref<128x64xf32, #tpu.memory_space<hbm>>
          %dma_wait3A_208 = arith.constant 0 : i32
          %dma_wait3A_209 = arith.constant 0 : i32
          %dma_wait3A_210 = tpu.memref_slice %arg4[%add3A, %sub3A_203, %dma_wait3A_208, %dma_wait3A_209] : memref<32x25x128x64xf32, #tpu.memory_space<hbm>> -> memref<1x1x128x64xf32, #tpu.memory_space<hbm>>
          %dma_wait3A_211 = tpu.memref_squeeze %dma_wait3A_210 : memref<1x1x128x64xf32, #tpu.memory_space<hbm>> -> memref<128x64xf32, #tpu.memory_space<hbm>>
          tpu.wait_dma2 semaphore(%arg20 : memref<!tpu.dma_semaphore, #tpu.memory_space<semaphore_mem>>) src(%arg10 : memref<128x64xf32, #tpu.memory_space<vmem>>) dst(%dma_wait3A_211 : memref<128x64xf32, #tpu.memory_space<hbm>>)
        } else {
        }
        %add3A_193 = arith.constant 2 : i32
        %add3A_194 = arith.addi %add3A_116, %add3A_193 : i32
        %dma_start3A_195 = arith.constant 0 : i32
        %dma_start3A_196 = tpu.memref_slice %arg5[%add3A_194, %dma_start3A_195] : memref<25x128xi32, #tpu.memory_space<vmem>> -> memref<1x128xi32, #tpu.memory_space<vmem>>
        %dma_start3A_197 = tpu.memref_squeeze %dma_start3A_196 : memref<1x128xi32, #tpu.memory_space<vmem>> -> memref<128xi32, #tpu.memory_space<vmem>>
        %dma_start3A_198 = arith.constant 0 : i32
        %dma_start3A_199 = arith.constant 0 : i32
        %dma_start3A_200 = tpu.memref_slice %arg3[%dma_start3A_198, %dma_start3A_199] : memref<1000000x64xf32, #tpu.memory_space<hbm>> -> memref<1000000x64xf32, #tpu.memory_space<hbm>>
        tpu.enqueue_indirect_dma source(%dma_start3A_200 : memref<1000000x64xf32, #tpu.memory_space<hbm>>) target(%arg10 : memref<128x64xf32, #tpu.memory_space<vmem>>) offsets(%dma_start3A_197 : memref<128xi32, #tpu.memory_space<vmem>>) semaphore(%arg15 : memref<!tpu.dma_semaphore, #tpu.memory_space<semaphore_mem>>)
      } else {
      }
      %mul3A_138 = arith.constant 5 : i32
      %mul3A_139 = arith.muli %scan3A_64, %mul3A_138 : i32
      %add3A_140 = arith.constant 3 : i32
      %add3A_141 = arith.addi %mul3A_139, %add3A_140 : i32
      %dma_wait3A_142 = arith.constant 0 : i32
      %dma_wait3A_143 = tpu.memref_slice %arg5[%add3A_141, %dma_wait3A_142] : memref<25x128xi32, #tpu.memory_space<vmem>> -> memref<1x128xi32, #tpu.memory_space<vmem>>
      %dma_wait3A_144 = tpu.memref_squeeze %dma_wait3A_143 : memref<1x128xi32, #tpu.memory_space<vmem>> -> memref<128xi32, #tpu.memory_space<vmem>>
      %dma_wait3A_145 = arith.constant 0 : i32
      %dma_wait3A_146 = arith.constant 0 : i32
      %dma_wait3A_147 = tpu.memref_slice %arg3[%dma_wait3A_145, %dma_wait3A_146] : memref<1000000x64xf32, #tpu.memory_space<hbm>> -> memref<1000000x64xf32, #tpu.memory_space<hbm>>
      tpu.wait_indirect_dma semaphore(%arg14 : memref<!tpu.dma_semaphore, #tpu.memory_space<semaphore_mem>>) src(%dma_wait3A_147 : memref<1000000x64xf32, #tpu.memory_space<hbm>>) dst(%arg9 : memref<128x64xf32, #tpu.memory_space<vmem>>)
      %dma_start3A_148 = arith.constant 0 : i32
      %dma_start3A_149 = arith.constant 0 : i32
      %dma_start3A_150 = tpu.memref_slice %arg4[%add3A, %add3A_141, %dma_start3A_148, %dma_start3A_149] : memref<32x25x128x64xf32, #tpu.memory_space<hbm>> -> memref<1x1x128x64xf32, #tpu.memory_space<hbm>>
      %dma_start3A_151 = tpu.memref_squeeze %dma_start3A_150 : memref<1x1x128x64xf32, #tpu.memory_space<hbm>> -> memref<128x64xf32, #tpu.memory_space<hbm>>
      %dma_start3A_152 = arith.constant 0 : i32
      %dma_start3A_153 = arith.constant 0 : i32
      %dma_start3A_154 = tpu.memref_slice %arg4[%add3A, %add3A_141, %dma_start3A_152, %dma_start3A_153] : memref<32x25x128x64xf32, #tpu.memory_space<hbm>> -> memref<1x1x128x64xf32, #tpu.memory_space<hbm>>
      %dma_start3A_155 = tpu.memref_squeeze %dma_start3A_154 : memref<1x1x128x64xf32, #tpu.memory_space<hbm>> -> memref<128x64xf32, #tpu.memory_space<hbm>>
      tpu.enqueue_dma source(%arg9 : memref<128x64xf32, #tpu.memory_space<vmem>>) target(%dma_start3A_155 : memref<128x64xf32, #tpu.memory_space<hbm>>) target_semaphore(%arg19 : memref<!tpu.dma_semaphore, #tpu.memory_space<semaphore_mem>>)
      %add3A_156 = arith.constant 2 : i32
      %add3A_157 = arith.addi %add3A_141, %add3A_156 : i32
      %lt3A_158 = arith.constant 25 : i32
      %lt3A_159 = arith.cmpi slt, %add3A_157, %lt3A_158 : i32
      %convert_element_type3A_160 = arith.extui %lt3A_159 : i1 to i32
      %cond3A_161 = arith.constant 0 : i32
      %cond3A_162 = arith.cmpi ne, %convert_element_type3A_160, %cond3A_161 : i32
      scf.if %cond3A_162 {
        %ge3A = arith.constant 3 : i32
        %ge3A_189 = arith.cmpi sge, %add3A_141, %ge3A : i32
        %convert_element_type3A_190 = arith.extui %ge3A_189 : i1 to i32
        %cond3A_191 = arith.constant 0 : i32
        %cond3A_192 = arith.cmpi ne, %convert_element_type3A_190, %cond3A_191 : i32
        scf.if %cond3A_192 {
          %add3A_201 = arith.constant 2 : i32
          %add3A_202 = arith.addi %add3A_141, %add3A_201 : i32
          %sub3A = arith.constant 5 : i32
          %sub3A_203 = arith.subi %add3A_202, %sub3A : i32
          %dma_wait3A_204 = arith.constant 0 : i32
          %dma_wait3A_205 = arith.constant 0 : i32
          %dma_wait3A_206 = tpu.memref_slice %arg4[%add3A, %sub3A_203, %dma_wait3A_204, %dma_wait3A_205] : memref<32x25x128x64xf32, #tpu.memory_space<hbm>> -> memref<1x1x128x64xf32, #tpu.memory_space<hbm>>
          %dma_wait3A_207 = tpu.memref_squeeze %dma_wait3A_206 : memref<1x1x128x64xf32, #tpu.memory_space<hbm>> -> memref<128x64xf32, #tpu.memory_space<hbm>>
          %dma_wait3A_208 = arith.constant 0 : i32
          %dma_wait3A_209 = arith.constant 0 : i32
          %dma_wait3A_210 = tpu.memref_slice %arg4[%add3A, %sub3A_203, %dma_wait3A_208, %dma_wait3A_209] : memref<32x25x128x64xf32, #tpu.memory_space<hbm>> -> memref<1x1x128x64xf32, #tpu.memory_space<hbm>>
          %dma_wait3A_211 = tpu.memref_squeeze %dma_wait3A_210 : memref<1x1x128x64xf32, #tpu.memory_space<hbm>> -> memref<128x64xf32, #tpu.memory_space<hbm>>
          tpu.wait_dma2 semaphore(%arg16 : memref<!tpu.dma_semaphore, #tpu.memory_space<semaphore_mem>>) src(%arg6 : memref<128x64xf32, #tpu.memory_space<vmem>>) dst(%dma_wait3A_211 : memref<128x64xf32, #tpu.memory_space<hbm>>)
        } else {
        }
        %add3A_193 = arith.constant 2 : i32
        %add3A_194 = arith.addi %add3A_141, %add3A_193 : i32
        %dma_start3A_195 = arith.constant 0 : i32
        %dma_start3A_196 = tpu.memref_slice %arg5[%add3A_194, %dma_start3A_195] : memref<25x128xi32, #tpu.memory_space<vmem>> -> memref<1x128xi32, #tpu.memory_space<vmem>>
        %dma_start3A_197 = tpu.memref_squeeze %dma_start3A_196 : memref<1x128xi32, #tpu.memory_space<vmem>> -> memref<128xi32, #tpu.memory_space<vmem>>
        %dma_start3A_198 = arith.constant 0 : i32
        %dma_start3A_199 = arith.constant 0 : i32
        %dma_start3A_200 = tpu.memref_slice %arg3[%dma_start3A_198, %dma_start3A_199] : memref<1000000x64xf32, #tpu.memory_space<hbm>> -> memref<1000000x64xf32, #tpu.memory_space<hbm>>
        tpu.enqueue_indirect_dma source(%dma_start3A_200 : memref<1000000x64xf32, #tpu.memory_space<hbm>>) target(%arg6 : memref<128x64xf32, #tpu.memory_space<vmem>>) offsets(%dma_start3A_197 : memref<128xi32, #tpu.memory_space<vmem>>) semaphore(%arg11 : memref<!tpu.dma_semaphore, #tpu.memory_space<semaphore_mem>>)
      } else {
      }
      %mul3A_163 = arith.constant 5 : i32
      %mul3A_164 = arith.muli %scan3A_64, %mul3A_163 : i32
      %add3A_165 = arith.constant 4 : i32
      %add3A_166 = arith.addi %mul3A_164, %add3A_165 : i32
      %dma_wait3A_167 = arith.constant 0 : i32
      %dma_wait3A_168 = tpu.memref_slice %arg5[%add3A_166, %dma_wait3A_167] : memref<25x128xi32, #tpu.memory_space<vmem>> -> memref<1x128xi32, #tpu.memory_space<vmem>>
      %dma_wait3A_169 = tpu.memref_squeeze %dma_wait3A_168 : memref<1x128xi32, #tpu.memory_space<vmem>> -> memref<128xi32, #tpu.memory_space<vmem>>
      %dma_wait3A_170 = arith.constant 0 : i32
      %dma_wait3A_171 = arith.constant 0 : i32
      %dma_wait3A_172 = tpu.memref_slice %arg3[%dma_wait3A_170, %dma_wait3A_171] : memref<1000000x64xf32, #tpu.memory_space<hbm>> -> memref<1000000x64xf32, #tpu.memory_space<hbm>>
      tpu.wait_indirect_dma semaphore(%arg15 : memref<!tpu.dma_semaphore, #tpu.memory_space<semaphore_mem>>) src(%dma_wait3A_172 : memref<1000000x64xf32, #tpu.memory_space<hbm>>) dst(%arg10 : memref<128x64xf32, #tpu.memory_space<vmem>>)
      %dma_start3A_173 = arith.constant 0 : i32
      %dma_start3A_174 = arith.constant 0 : i32
      %dma_start3A_175 = tpu.memref_slice %arg4[%add3A, %add3A_166, %dma_start3A_173, %dma_start3A_174] : memref<32x25x128x64xf32, #tpu.memory_space<hbm>> -> memref<1x1x128x64xf32, #tpu.memory_space<hbm>>
      %dma_start3A_176 = tpu.memref_squeeze %dma_start3A_175 : memref<1x1x128x64xf32, #tpu.memory_space<hbm>> -> memref<128x64xf32, #tpu.memory_space<hbm>>
      %dma_start3A_177 = arith.constant 0 : i32
      %dma_start3A_178 = arith.constant 0 : i32
      %dma_start3A_179 = tpu.memref_slice %arg4[%add3A, %add3A_166, %dma_start3A_177, %dma_start3A_178] : memref<32x25x128x64xf32, #tpu.memory_space<hbm>> -> memref<1x1x128x64xf32, #tpu.memory_space<hbm>>
      %dma_start3A_180 = tpu.memref_squeeze %dma_start3A_179 : memref<1x1x128x64xf32, #tpu.memory_space<hbm>> -> memref<128x64xf32, #tpu.memory_space<hbm>>
      tpu.enqueue_dma source(%arg10 : memref<128x64xf32, #tpu.memory_space<vmem>>) target(%dma_start3A_180 : memref<128x64xf32, #tpu.memory_space<hbm>>) target_semaphore(%arg20 : memref<!tpu.dma_semaphore, #tpu.memory_space<semaphore_mem>>)
      %add3A_181 = arith.constant 2 : i32
      %add3A_182 = arith.addi %add3A_166, %add3A_181 : i32
      %lt3A_183 = arith.constant 25 : i32
      %lt3A_184 = arith.cmpi slt, %add3A_182, %lt3A_183 : i32
      %convert_element_type3A_185 = arith.extui %lt3A_184 : i1 to i32
      %cond3A_186 = arith.constant 0 : i32
      %cond3A_187 = arith.cmpi ne, %convert_element_type3A_185, %cond3A_186 : i32
      scf.if %cond3A_187 {
        %ge3A = arith.constant 3 : i32
        %ge3A_189 = arith.cmpi sge, %add3A_166, %ge3A : i32
        %convert_element_type3A_190 = arith.extui %ge3A_189 : i1 to i32
        %cond3A_191 = arith.constant 0 : i32
        %cond3A_192 = arith.cmpi ne, %convert_element_type3A_190, %cond3A_191 : i32
        scf.if %cond3A_192 {
          %add3A_201 = arith.constant 2 : i32
          %add3A_202 = arith.addi %add3A_166, %add3A_201 : i32
          %sub3A = arith.constant 5 : i32
          %sub3A_203 = arith.subi %add3A_202, %sub3A : i32
          %dma_wait3A_204 = arith.constant 0 : i32
          %dma_wait3A_205 = arith.constant 0 : i32
          %dma_wait3A_206 = tpu.memref_slice %arg4[%add3A, %sub3A_203, %dma_wait3A_204, %dma_wait3A_205] : memref<32x25x128x64xf32, #tpu.memory_space<hbm>> -> memref<1x1x128x64xf32, #tpu.memory_space<hbm>>
          %dma_wait3A_207 = tpu.memref_squeeze %dma_wait3A_206 : memref<1x1x128x64xf32, #tpu.memory_space<hbm>> -> memref<128x64xf32, #tpu.memory_space<hbm>>
          %dma_wait3A_208 = arith.constant 0 : i32
          %dma_wait3A_209 = arith.constant 0 : i32
          %dma_wait3A_210 = tpu.memref_slice %arg4[%add3A, %sub3A_203, %dma_wait3A_208, %dma_wait3A_209] : memref<32x25x128x64xf32, #tpu.memory_space<hbm>> -> memref<1x1x128x64xf32, #tpu.memory_space<hbm>>
          %dma_wait3A_211 = tpu.memref_squeeze %dma_wait3A_210 : memref<1x1x128x64xf32, #tpu.memory_space<hbm>> -> memref<128x64xf32, #tpu.memory_space<hbm>>
          tpu.wait_dma2 semaphore(%arg17 : memref<!tpu.dma_semaphore, #tpu.memory_space<semaphore_mem>>) src(%arg7 : memref<128x64xf32, #tpu.memory_space<vmem>>) dst(%dma_wait3A_211 : memref<128x64xf32, #tpu.memory_space<hbm>>)
        } else {
        }
        %add3A_193 = arith.constant 2 : i32
        %add3A_194 = arith.addi %add3A_166, %add3A_193 : i32
        %dma_start3A_195 = arith.constant 0 : i32
        %dma_start3A_196 = tpu.memref_slice %arg5[%add3A_194, %dma_start3A_195] : memref<25x128xi32, #tpu.memory_space<vmem>> -> memref<1x128xi32, #tpu.memory_space<vmem>>
        %dma_start3A_197 = tpu.memref_squeeze %dma_start3A_196 : memref<1x128xi32, #tpu.memory_space<vmem>> -> memref<128xi32, #tpu.memory_space<vmem>>
        %dma_start3A_198 = arith.constant 0 : i32
        %dma_start3A_199 = arith.constant 0 : i32
        %dma_start3A_200 = tpu.memref_slice %arg3[%dma_start3A_198, %dma_start3A_199] : memref<1000000x64xf32, #tpu.memory_space<hbm>> -> memref<1000000x64xf32, #tpu.memory_space<hbm>>
        tpu.enqueue_indirect_dma source(%dma_start3A_200 : memref<1000000x64xf32, #tpu.memory_space<hbm>>) target(%arg7 : memref<128x64xf32, #tpu.memory_space<vmem>>) offsets(%dma_start3A_197 : memref<128xi32, #tpu.memory_space<vmem>>) semaphore(%arg12 : memref<!tpu.dma_semaphore, #tpu.memory_space<semaphore_mem>>)
      } else {
      }
      %scan3A_188 = arith.constant 0 : i32
      scf.yield %scan3A_188 : i32
    }
    %scan3A_19 = arith.constant 5 : i32
    %dma_wait3A = arith.constant 20 : i32
    %dma_wait3A_20 = arith.constant 0 : i32
    %dma_wait3A_21 = arith.constant 0 : i32
    %dma_wait3A_22 = tpu.memref_slice %arg4[%add3A, %dma_wait3A, %dma_wait3A_20, %dma_wait3A_21] : memref<32x25x128x64xf32, #tpu.memory_space<hbm>> -> memref<1x1x128x64xf32, #tpu.memory_space<hbm>>
    %dma_wait3A_23 = tpu.memref_squeeze %dma_wait3A_22 : memref<1x1x128x64xf32, #tpu.memory_space<hbm>> -> memref<128x64xf32, #tpu.memory_space<hbm>>
    %dma_wait3A_24 = arith.constant 0 : i32
    %dma_wait3A_25 = arith.constant 0 : i32
    %dma_wait3A_26 = tpu.memref_slice %arg4[%add3A, %dma_wait3A, %dma_wait3A_24, %dma_wait3A_25] : memref<32x25x128x64xf32, #tpu.memory_space<hbm>> -> memref<1x1x128x64xf32, #tpu.memory_space<hbm>>
    %dma_wait3A_27 = tpu.memref_squeeze %dma_wait3A_26 : memref<1x1x128x64xf32, #tpu.memory_space<hbm>> -> memref<128x64xf32, #tpu.memory_space<hbm>>
    tpu.wait_dma2 semaphore(%arg16 : memref<!tpu.dma_semaphore, #tpu.memory_space<semaphore_mem>>) src(%arg6 : memref<128x64xf32, #tpu.memory_space<vmem>>) dst(%dma_wait3A_27 : memref<128x64xf32, #tpu.memory_space<hbm>>)
    %dma_wait3A_28 = arith.constant 21 : i32
    %dma_wait3A_29 = arith.constant 0 : i32
    %dma_wait3A_30 = arith.constant 0 : i32
    %dma_wait3A_31 = tpu.memref_slice %arg4[%add3A, %dma_wait3A_28, %dma_wait3A_29, %dma_wait3A_30] : memref<32x25x128x64xf32, #tpu.memory_space<hbm>> -> memref<1x1x128x64xf32, #tpu.memory_space<hbm>>
    %dma_wait3A_32 = tpu.memref_squeeze %dma_wait3A_31 : memref<1x1x128x64xf32, #tpu.memory_space<hbm>> -> memref<128x64xf32, #tpu.memory_space<hbm>>
    %dma_wait3A_33 = arith.constant 0 : i32
    %dma_wait3A_34 = arith.constant 0 : i32
    %dma_wait3A_35 = tpu.memref_slice %arg4[%add3A, %dma_wait3A_28, %dma_wait3A_33, %dma_wait3A_34] : memref<32x25x128x64xf32, #tpu.memory_space<hbm>> -> memref<1x1x128x64xf32, #tpu.memory_space<hbm>>
    %dma_wait3A_36 = tpu.memref_squeeze %dma_wait3A_35 : memref<1x1x128x64xf32, #tpu.memory_space<hbm>> -> memref<128x64xf32, #tpu.memory_space<hbm>>
    tpu.wait_dma2 semaphore(%arg17 : memref<!tpu.dma_semaphore, #tpu.memory_space<semaphore_mem>>) src(%arg7 : memref<128x64xf32, #tpu.memory_space<vmem>>) dst(%dma_wait3A_36 : memref<128x64xf32, #tpu.memory_space<hbm>>)
    %dma_wait3A_37 = arith.constant 22 : i32
    %dma_wait3A_38 = arith.constant 0 : i32
    %dma_wait3A_39 = arith.constant 0 : i32
    %dma_wait3A_40 = tpu.memref_slice %arg4[%add3A, %dma_wait3A_37, %dma_wait3A_38, %dma_wait3A_39] : memref<32x25x128x64xf32, #tpu.memory_space<hbm>> -> memref<1x1x128x64xf32, #tpu.memory_space<hbm>>
    %dma_wait3A_41 = tpu.memref_squeeze %dma_wait3A_40 : memref<1x1x128x64xf32, #tpu.memory_space<hbm>> -> memref<128x64xf32, #tpu.memory_space<hbm>>
    %dma_wait3A_42 = arith.constant 0 : i32
    %dma_wait3A_43 = arith.constant 0 : i32
    %dma_wait3A_44 = tpu.memref_slice %arg4[%add3A, %dma_wait3A_37, %dma_wait3A_42, %dma_wait3A_43] : memref<32x25x128x64xf32, #tpu.memory_space<hbm>> -> memref<1x1x128x64xf32, #tpu.memory_space<hbm>>
    %dma_wait3A_45 = tpu.memref_squeeze %dma_wait3A_44 : memref<1x1x128x64xf32, #tpu.memory_space<hbm>> -> memref<128x64xf32, #tpu.memory_space<hbm>>
    tpu.wait_dma2 semaphore(%arg18 : memref<!tpu.dma_semaphore, #tpu.memory_space<semaphore_mem>>) src(%arg8 : memref<128x64xf32, #tpu.memory_space<vmem>>) dst(%dma_wait3A_45 : memref<128x64xf32, #tpu.memory_space<hbm>>)
    %dma_wait3A_46 = arith.constant 23 : i32
    %dma_wait3A_47 = arith.constant 0 : i32
    %dma_wait3A_48 = arith.constant 0 : i32
    %dma_wait3A_49 = tpu.memref_slice %arg4[%add3A, %dma_wait3A_46, %dma_wait3A_47, %dma_wait3A_48] : memref<32x25x128x64xf32, #tpu.memory_space<hbm>> -> memref<1x1x128x64xf32, #tpu.memory_space<hbm>>
    %dma_wait3A_50 = tpu.memref_squeeze %dma_wait3A_49 : memref<1x1x128x64xf32, #tpu.memory_space<hbm>> -> memref<128x64xf32, #tpu.memory_space<hbm>>
    %dma_wait3A_51 = arith.constant 0 : i32
    %dma_wait3A_52 = arith.constant 0 : i32
    %dma_wait3A_53 = tpu.memref_slice %arg4[%add3A, %dma_wait3A_46, %dma_wait3A_51, %dma_wait3A_52] : memref<32x25x128x64xf32, #tpu.memory_space<hbm>> -> memref<1x1x128x64xf32, #tpu.memory_space<hbm>>
    %dma_wait3A_54 = tpu.memref_squeeze %dma_wait3A_53 : memref<1x1x128x64xf32, #tpu.memory_space<hbm>> -> memref<128x64xf32, #tpu.memory_space<hbm>>
    tpu.wait_dma2 semaphore(%arg19 : memref<!tpu.dma_semaphore, #tpu.memory_space<semaphore_mem>>) src(%arg9 : memref<128x64xf32, #tpu.memory_space<vmem>>) dst(%dma_wait3A_54 : memref<128x64xf32, #tpu.memory_space<hbm>>)
    %dma_wait3A_55 = arith.constant 24 : i32
    %dma_wait3A_56 = arith.constant 0 : i32
    %dma_wait3A_57 = arith.constant 0 : i32
    %dma_wait3A_58 = tpu.memref_slice %arg4[%add3A, %dma_wait3A_55, %dma_wait3A_56, %dma_wait3A_57] : memref<32x25x128x64xf32, #tpu.memory_space<hbm>> -> memref<1x1x128x64xf32, #tpu.memory_space<hbm>>
    %dma_wait3A_59 = tpu.memref_squeeze %dma_wait3A_58 : memref<1x1x128x64xf32, #tpu.memory_space<hbm>> -> memref<128x64xf32, #tpu.memory_space<hbm>>
    %dma_wait3A_60 = arith.constant 0 : i32
    %dma_wait3A_61 = arith.constant 0 : i32
    %dma_wait3A_62 = tpu.memref_slice %arg4[%add3A, %dma_wait3A_55, %dma_wait3A_60, %dma_wait3A_61] : memref<32x25x128x64xf32, #tpu.memory_space<hbm>> -> memref<1x1x128x64xf32, #tpu.memory_space<hbm>>
    %dma_wait3A_63 = tpu.memref_squeeze %dma_wait3A_62 : memref<1x1x128x64xf32, #tpu.memory_space<hbm>> -> memref<128x64xf32, #tpu.memory_space<hbm>>
    tpu.wait_dma2 semaphore(%arg20 : memref<!tpu.dma_semaphore, #tpu.memory_space<semaphore_mem>>) src(%arg10 : memref<128x64xf32, #tpu.memory_space<vmem>>) dst(%dma_wait3A_63 : memref<128x64xf32, #tpu.memory_space<hbm>>)
    return
  }
}

module attributes {stable_mosaic.version = 14 : i64} {
  func.func @_tc_norm(%arg0: i32, %arg1: memref<6400x64xf32, #tpu.memory_space<vmem>>, %arg2: memref<6400x64xf32, #tpu.memory_space<vmem>>, %arg3: memref<1x64xf32, #tpu.memory_space<vmem>>, %arg4: memref<1x64xf32, #tpu.memory_space<vmem>>, %arg5: memref<6400x64xf32, #tpu.memory_space<vmem>>) attributes {dimension_semantics = [#tpu.dimension_semantics<arbitrary>], iteration_bounds = array<i64: 16>, scalar_prefetch = 0 : i64, scratch_operands = 0 : i64, tpu.core_type = #tpu.core_type<tc>, window_params = [{transform_indices = @transform_0, window_bounds = array<i64: 6400, 64>}, {pipeline_mode = #tpu.pipeline_mode<synchronous>, transform_indices = @transform_1, window_bounds = array<i64: 6400, 64>}, {pipeline_mode = #tpu.pipeline_mode<synchronous>, transform_indices = @transform_2, window_bounds = array<i64: 1, 64>}, {pipeline_mode = #tpu.pipeline_mode<synchronous>, transform_indices = @transform_3, window_bounds = array<i64: 1, 64>}, {transform_indices = @transform_4, window_bounds = array<i64: 6400, 64>}]} {
    %get3A = arith.constant 0 : index
    %get3A_0 = arith.constant 0 : index
    %get3A_1 = vector.load %arg1[%get3A, %get3A_0] : memref<6400x64xf32, #tpu.memory_space<vmem>>, vector<6400x64xf32>
    %mul3A = arith.constant 8.000000e+00 : f32
    %mul3A_2 = vector.broadcast %mul3A : f32 to vector<6400x64xf32>
    %mul3A_3 = arith.mulf %get3A_1, %mul3A_2 : vector<6400x64xf32>
    %get3A_4 = arith.constant 0 : index
    %get3A_5 = arith.constant 0 : index
    %get3A_6 = vector.load %arg2[%get3A_4, %get3A_5] : memref<6400x64xf32, #tpu.memory_space<vmem>>, vector<6400x64xf32>
    %add3A = arith.addf %mul3A_3, %get3A_6 : vector<6400x64xf32>
    %reduce_sum3A = arith.constant dense<0.000000e+00> : vector<6400xf32>
    %reduce_sum3A_7 = vector.multi_reduction <add>, %add3A, %reduce_sum3A [1] : vector<6400x64xf32> to vector<6400xf32>
    %broadcast_in_dim3A = vector.shape_cast %reduce_sum3A_7 : vector<6400xf32> to vector<6400x1xf32>
    %div3A = arith.constant 6.400000e+01 : f32
    %div3A_8 = vector.broadcast %div3A : f32 to vector<6400x1xf32>
    %div3A_9 = arith.divf %broadcast_in_dim3A, %div3A_8 : vector<6400x1xf32>
    %mul3A_10 = arith.mulf %add3A, %add3A : vector<6400x64xf32>
    %reduce_sum3A_11 = arith.constant dense<0.000000e+00> : vector<6400xf32>
    %reduce_sum3A_12 = vector.multi_reduction <add>, %mul3A_10, %reduce_sum3A_11 [1] : vector<6400x64xf32> to vector<6400xf32>
    %broadcast_in_dim3A_13 = vector.shape_cast %reduce_sum3A_12 : vector<6400xf32> to vector<6400x1xf32>
    %div3A_14 = arith.constant 6.400000e+01 : f32
    %div3A_15 = vector.broadcast %div3A_14 : f32 to vector<6400x1xf32>
    %div3A_16 = arith.divf %broadcast_in_dim3A_13, %div3A_15 : vector<6400x1xf32>
    %mul3A_17 = arith.mulf %div3A_9, %div3A_9 : vector<6400x1xf32>
    %sub3A = arith.subf %div3A_16, %mul3A_17 : vector<6400x1xf32>
    %sub3A_18 = vector.broadcast %div3A_9 : vector<6400x1xf32> to vector<6400x64xf32>
    %sub3A_19 = arith.subf %add3A, %sub3A_18 : vector<6400x64xf32>
    %add3A_20 = arith.constant 9.99999974E-6 : f32
    %add3A_21 = vector.broadcast %add3A_20 : f32 to vector<6400x1xf32>
    %add3A_22 = arith.addf %sub3A, %add3A_21 : vector<6400x1xf32>
    %rsqrt3A = math.rsqrt %add3A_22 : vector<6400x1xf32>
    %mul3A_23 = vector.broadcast %rsqrt3A : vector<6400x1xf32> to vector<6400x64xf32>
    %mul3A_24 = arith.mulf %sub3A_19, %mul3A_23 : vector<6400x64xf32>
    %get3A_25 = arith.constant 0 : index
    %get3A_26 = arith.constant 0 : index
    %get3A_27 = vector.load %arg3[%get3A_25, %get3A_26] : memref<1x64xf32, #tpu.memory_space<vmem>>, vector<1x64xf32>
    %mul3A_28 = vector.broadcast %get3A_27 : vector<1x64xf32> to vector<6400x64xf32>
    %mul3A_29 = arith.mulf %mul3A_24, %mul3A_28 : vector<6400x64xf32>
    %get3A_30 = arith.constant 0 : index
    %get3A_31 = arith.constant 0 : index
    %get3A_32 = vector.load %arg4[%get3A_30, %get3A_31] : memref<1x64xf32, #tpu.memory_space<vmem>>, vector<1x64xf32>
    %add3A_33 = vector.broadcast %get3A_32 : vector<1x64xf32> to vector<6400x64xf32>
    %add3A_34 = arith.addf %mul3A_29, %add3A_33 : vector<6400x64xf32>
    %swap3A = arith.constant 0 : index
    %swap3A_35 = arith.constant 0 : index
    %swap3A_36 = vector.load %arg5[%swap3A, %swap3A_35] : memref<6400x64xf32, #tpu.memory_space<vmem>>, vector<6400x64xf32>
    tpu.vector_store %arg5[%swap3A, %swap3A_35], %add3A_34 {strides = array<i32>} : memref<6400x64xf32, #tpu.memory_space<vmem>>, vector<6400x64xf32>,
    return
  }
  func.func @transform_0(%arg0: i32) -> (i32, i32) {
    %c0_i32 = arith.constant 0 : i32
    %c0_i32_0 = arith.constant 0 : i32
    return %arg0, %c0_i32 : i32, i32
  }
  func.func @transform_1(%arg0: i32) -> (i32, i32) {
    %c0_i32 = arith.constant 0 : i32
    %c0_i32_0 = arith.constant 0 : i32
    %c0_i32_1 = arith.constant 0 : i32
    return %c0_i32, %c0_i32_0 : i32, i32
  }
  func.func @transform_2(%arg0: i32) -> (i32, i32) {
    %c0_i32 = arith.constant 0 : i32
    %c0_i32_0 = arith.constant 0 : i32
    %c0_i32_1 = arith.constant 0 : i32
    return %c0_i32, %c0_i32_0 : i32, i32
  }
  func.func @transform_3(%arg0: i32) -> (i32, i32) {
    %c0_i32 = arith.constant 0 : i32
    %c0_i32_0 = arith.constant 0 : i32
    %c0_i32_1 = arith.constant 0 : i32
    return %c0_i32, %c0_i32_0 : i32, i32
  }
  func.func @transform_4(%arg0: i32) -> (i32, i32) {
    %c0_i32 = arith.constant 0 : i32
    %c0_i32_0 = arith.constant 0 : i32
    return %arg0, %c0_i32 : i32, i32
  }
}

</mosaic_0001>

<sc_bundles>
// kernel: kernel.6.cloned.1.call-start
scs
__scs_entry_jumppad:
0x0: {  	(pc) =	sbr.rel $0x88, $3  }
0x1: {  	(tag) =	ssettag $0x0;
	lr =	simm.s32 $0x1  }
0x2: {  	[smem:$0x3F9D] =	sst lr;
	_ =	strace $0xD0000000  }
0x3: {  	_ = 	snop  }
0x4: {  	_ = 	snop  }
0x5: {  	_ = 	snop  }
0x6: {  	_ = 	snop  }
0x7: {  	_ = 	snop  }
__scs_overlays_trampoline_lowered:
0x8: {  	[smem:$0x3FAC] =	sst s0  }
0x9: {  	[smem:$0x3FAD] =	sst s1  }
0xa: {  	[smem:$0x3FAE] =	sst s2  }
0xb: {  	[smem:$0x3FAF] =	sst s3  }
0xc: {  	[smem:$0x3FB0] =	sst s4  }
0xd: {  	[smem:$0x3FB1] =	sst s5  }
0xe: {  	[smem:$0x3FB2] =	sst s6  }
0xf: {  	[smem:$0x3FB3] =	sst s7  }
0x10: {  	[smem:$0x3FB4] =	sst s8  }
0x11: {  	[smem:$0x3FB5] =	sst s9;
	s0 =	simm.s32 @!p0 $0x0  }
0x12: {  	s1 =	sld [smem:$0x3F9B];
	s0 =	simm.s32 @p0 $0x1  }
0x13: {  	[smem:$0x3FB6] =	sst s0;
	s0 =	simm.s32 @!p1 $0x0  }
0x14: {  	s2 =	sld [smem:$0x3F9A];
	s0 =	simm.s32 @p1 $0x1  }
0x15: {  	[smem:$0x3FB7] =	sst s0;
	s0 =	simm.s32 @!p2 $0x0  }
0x16: {  	s3 =	sld [smem:$0x3FDB];
	s0 =	simm.s32 @p2 $0x1  }
0x17: {  	s4 =	simm.s32 $0x1BF5;
	[smem:$0x3FB9] =	sst s0  }
0x18: {  	s0 =	sld [smem:$0x3F9C];
	_ =	swait.ge [sflag:s4], $0x0  }
0x19: {  	s7 =	sld [smem:$0x3F9D]  }
0x1a: {  	s8 =	sadd.s32 $0xFFFFE003, lr  }
0x1b: {  	s9 =	sadd.s32 $0xFFFFFEF7, lr;
	s5 =	simm.s32 $0xFFFFFFFF;
	p2 =	slt.u32 s8, $0xFFFFF086  }
0x1c: {  	p1 =	slt.u32 s9, $0xF7A;
	s5 =	simm.s32 @!p2 $0x0  }
0x1d: {  	s5 =	simm.s32 @p1 $0x1;
	p0 =	seq.s32 s7, s2  }
0x1e: {  	s7 =	smul.u32 @!p0 $0xF7A, s2;
	p2 =	seq.s32 @!p0 s5, $0x0  }
0x1f: {  	s9 =	smul.u32 $0xF7A, s1;
	s8 =	simm.s32 @!p0 $0x1BF5;
	p2 =	por !p2, p0  }
0x20: {  	[sflag:s8] =	ssyncset.s32 @!p0 $0xFFFFF086;
	s6 =	sadd.s32 @!p0 s3, s7;
	s7 =	simm.s32 @!p0 $0x108  }
0x21: {  	s3 =	sadd.s32 s3, s9;
	s6 =	sadd.s32 @!p0 $0x88, s6;
	s7 =	simm.s32 @p2 $0x1082  }
0x22: {  	[simem:s7], [sflag:s8] =	dma.local @!p0 [hbm:s6], $0xF7A  }
0x23: {  	s9 =	sor.u32 $0xD0000000, s2;
	s6 =	simm.s32 $0x108;
	_ =	swait.ge @!p0 [sflag:s8], $0x0  }
0x24: {  	s3 =	sadd.s32 $0x88, s3;
	s6 =	simm.s32 @!p1 $0x1082;
	[sflag:s4] =	ssyncset.s32 $0xFFFFF086  }
0x25: {  	[simem:s6], [sflag:s4] =	dma.local [hbm:s3], $0xF7A  }
0x26: {  	[smem:$0x3F9D] =	sst s1;
	(tag) =	ssettag s2;
	_ =	strace s9  }
0x27: {  	s1 =	sld [smem:$0x3FAD]  }
0x28: {  	s2 =	sld [smem:$0x3FAE]  }
0x29: {  	s4 =	sld [smem:$0x3FB0]  }
0x2a: {  	p0 =	seq.s32 s5, $0x0;
	s5 =	sld [smem:$0x3FB1]  }
0x2b: {  	s6 =	sld [smem:$0x3FB2]  }
0x2c: {  	s7 =	sld [smem:$0x3FB3]  }
0x2d: {  	s3 =	simm.s32 $0x108;
	s8 =	sld [smem:$0x3FB4]  }
0x2e: {  	s3 =	simm.s32 @!p0 $0x1082;
	s9 =	sld [smem:$0x3FB5]  }
0x2f: {  	lr =	sadd.s32 s0, s3;
	s0 =	sld [smem:$0x3FAC]  }
0x30: {  	s3 =	sld [smem:$0x3FAF]  }
0x31: {  	[smem:$0x3FB8] =	sst s10  }
0x32: {  	s10 =	sld [smem:$0x3FB6];
	_ =	sdelay $0x3  }
0x33: {  	p0 =	seq.s32 s10, $0x1;
	s10 =	sld [smem:$0x3FB8];
	_ =	sdelay $0x3  }
0x34: {  	[smem:$0x3FB8] =	sst s10  }
0x35: {  	s10 =	sld [smem:$0x3FB7];
	_ =	sdelay $0x3  }
0x36: {  	p1 =	seq.s32 s10, $0x1;
	s10 =	sld [smem:$0x3FB8];
	_ =	sdelay $0x3  }
0x37: {  	[smem:$0x3FB8] =	sst s10  }
0x38: {  	s10 =	sld [smem:$0x3FB9]  }
0x39: {  	_ = 	snop;
	(pc) =	sbr.ind lr, $3  }
0x3a: {  	_ = 	snop  }
0x3b: {  	_ = 	snop  }
0x3c: {  	p2 =	seq.s32 s10, $0x1;
	s10 =	sld [smem:$0x3FB8]  }
0x3d: {  	_ =	shalt  }
0x3e: {  	_ =	shalt  }
0x3f: {  	_ =	shalt  }
0x40: {  	_ =	shalt  }
0x41: {  	_ =	shalt  }
0x42: {  	_ =	shalt  }
0x43: {  	_ =	shalt  }
0x44: {  	_ =	shalt  }
0x45: {  	_ =	shalt  }
0x46: {  	_ =	shalt  }
0x47: {  	_ =	shalt  }
0x48: {  	_ =	shalt  }
0x49: {  	_ =	shalt  }
0x4a: {  	_ =	shalt  }
0x4b: {  	_ =	shalt  }
0x4c: {  	_ =	shalt  }
0x4d: {  	_ =	shalt  }
0x4e: {  	_ =	shalt  }
0x4f: {  	_ =	shalt  }
0x50: {  	_ =	shalt  }
0x51: {  	_ =	shalt  }
0x52: {  	_ =	shalt  }
0x53: {  	_ =	shalt  }
0x54: {  	_ =	shalt  }
0x55: {  	_ =	shalt  }
0x56: {  	_ =	shalt  }
0x57: {  	_ =	shalt  }
0x58: {  	_ =	shalt  }
0x59: {  	_ =	shalt  }
0x5a: {  	_ =	shalt  }
0x5b: {  	_ =	shalt  }
0x5c: {  	_ =	shalt  }
0x5d: {  	_ =	shalt  }
0x5e: {  	_ =	shalt  }
0x5f: {  	_ =	shalt  }
0x60: {  	_ =	shalt  }
0x61: {  	_ =	shalt  }
0x62: {  	_ =	shalt  }
0x63: {  	_ =	shalt  }
0x64: {  	_ =	shalt  }
0x65: {  	_ =	shalt  }
0x66: {  	_ =	shalt  }
0x67: {  	_ =	shalt  }
0x68: {  	_ =	shalt  }
0x69: {  	_ =	shalt  }
0x6a: {  	_ =	shalt  }
0x6b: {  	_ =	shalt  }
0x6c: {  	_ =	shalt  }
0x6d: {  	_ =	shalt  }
0x6e: {  	_ =	shalt  }
0x6f: {  	_ =	shalt  }
0x70: {  	_ =	shalt  }
0x71: {  	_ =	shalt  }
0x72: {  	_ =	shalt  }
0x73: {  	_ =	shalt  }
0x74: {  	_ =	shalt  }
0x75: {  	_ =	shalt  }
0x76: {  	_ =	shalt  }
0x77: {  	_ =	shalt  }
0x78: {  	_ =	shalt  }
0x79: {  	_ =	shalt  }
0x7a: {  	_ =	shalt  }
0x7b: {  	_ =	shalt  }
0x7c: {  	_ =	shalt  }
0x7d: {  	_ =	shalt  }
0x7e: {  	_ =	shalt  }
0x7f: {  	_ =	shalt  }
0x80: {  	_ =	shalt  }
0x81: {  	_ =	shalt  }
0x82: {  	_ =	shalt  }
0x83: {  	_ =	shalt  }
0x84: {  	_ =	shalt  }
0x85: {  	_ =	shalt  }
0x86: {  	_ =	shalt  }
0x87: {  	_ =	shalt  }
.Lfunc_end0:
.L_simem_size_0:
called_computation_lowered:
.L_overlay_start_0:
0x88: {  	s2 =	sld [smem:$0x3FD9]  }
0x89: {  	s3 =	sld [smem:$0x3FFE];
	_ =	sdelay $0x1  }
0x8a: {  	s1 =	srdreg.scid  }
0x8b: {  	s0 =	sand.u32 $0x1, s1  }
0x8c: {  	s17 =	sshll.u32 s0, $0xA;
	s2 =	sadd.s32 s3, s2  }
0x8d: {  	s2 =	sadd.s32 s2, s17  }
0x8e: {  	[smem:$0x3FC4] =	sst s2  }
0x8f: {  	_ = 	snop  }
0x90: {  	(tm) =	ssettm $0x1  }
0x91: {  	s18 =	sld [smem:$0x3FFB];
	_ =	sdelay $0x3  }
0x92: {  	_ =	strace s18  }
0x93: {  	s2 =	sld [smem:$0x3FFC];
	_ =	sdelay $0x3  }
0x94: {  	_ =	strace s2  }
0x95: {  	s2 =	sld [smem:$0x3FFD];
	_ =	sdelay $0x3  }
0x96: {  	_ =	strace s2  }
0x97: {  	_ =	strace $0x8FFFFFFF  }
0x98: {  	s19 =	sld [smem:$0x3FDB];
	_ =	sdelay $0x1  }
0x99: {  	s20 =	simm.s32 $_scs_section_size  }
0x9a: {  	s4 =	simm.s32 $_size__tile_overlayer_lowered;
	s5 =	simm.s32 $_tile_overlayer_lowered  }
0x9b: {  	s6 =	simm.s32 $0x1BFF;
	s21 =	sshll.u32 s5, $0x1;
	s3 =	sadd.s32 s20, s19  }
0x9c: {  	s22 =	simm.s32 $0x0;
	s4 =	sshll.u32 s4, $0x1;
	s5 =	sadd.s32 s21, s3  }
0x9d: {  	[timem:s22], [sflag:s6] =	dma.local [hbm:s5], s4  }
0x9e: {  	_ =	swait.ge [sflag:s6], s4  }
0x9f: {  	s4 =	ssub.s32 $0x0, s4;
	[sflag:s6] =	ssyncset.done $0x0  }
0xa0: {  	[sflag:s6] =	ssyncadd.s32 s4;
	_ =	sdelay $0x1  }
0xa1: {  	s23 =	simm.s32 $0x1B8B  }
0xa2: {  	_ =	swait.ge [sflag:s23], $0x1  }
0xa3: {  	[sflag:s23] =	ssyncset.done $0x0  }
0xa4: {  	[sflag:s23] =	ssyncadd.s32 $0xFFFFFFFF  }
0xa5: {  	s4 =	sld [smem:$0x0]  }
0xa6: {  	s5 =	sand.u32 $0xFFFFFFFE, s1  }
0xa7: {  	p0 =	sne.s32 s1, s5  }
0xa8: {  	s5 =	sshll.u32 @p0 s5, $0xE  }
0xa9: {  	s5 =	sadd.s32 @p0 $0x11B8D, s5;
	s6 =	sshll.u32 @p0 s4, $0x11  }
0xaa: {  	s5 =	sor.u32 @p0 s6, s5  }
0xab: {  	[sflag:s5] =	ssyncadd.remote.s32 @p0 $0x1;
	_ =	sdelay $0x1  }
0xac: {  	s5 =	simm.s32 @p0 $0x1B8D  }
0xad: {  	_ =	swait.eq @p0 [sflag:s5], $0x1  }
0xae: {  	[sflag:s5] =	ssyncadd.s32 @p0 $0xFFFFFFFF  }
0xaf: {  	s6 =	sshll.u32 @!p0 s1, $0xE  }
0xb0: {  	s6 =	sor.u32 @!p0 $0x4000, s6;
	s5 =	simm.s32 @!p0 $0x1B8D  }
0xb1: {  	s4 =	sshll.u32 @!p0 s4, $0x11;
	s6 =	sadd.s32 @!p0 $0x11B8D, s6;
	_ =	swait.eq @!p0 [sflag:s5], $0x1  }
0xb2: {  	s4 =	sor.u32 @!p0 s4, s6;
	[sflag:s5] =	ssyncadd.s32 @!p0 $0xFFFFFFFF  }
0xb3: {  	s25 =	simm.s32 $0x1B8E;
	s24 =	sld [smem:$0x3FFE];
	[sflag:s4] =	ssyncadd.remote.s32 @!p0 $0x1  }
0xb4: {  	s26 =	simm.s32 $execute0_lowered;
	[smem:$0x3FD2] =	sst s25  }
0xb5: {  	s5 =	sshll.u32 s26, $0x1;
	_ =	strace $0x80000049;
	[dreg:$0x1] =	wrdreg $0xFFFFFFFF  }
0xb6: {  	s28 =	simm.s32 $_size_execute0_lowered;
	s3 =	sadd.s32 s3, s5;
	[dreg:$0x0] =	wrdreg $0x0  }
0xb7: {  	s5 =	sshll.u32 s28, $0x1;
	[dreg:$0x2] =	wrdreg s3  }
0xb8: {  	[dreg:$0x3] =	wrdreg s5  }
0xb9: {  	[dreg:$0x4] =	wrdreg $0xC0  }
0xba: {  	_ =	task [dreg:s22], $0x5FFFF  }
0xbb: {  	[dreg:$0x1] =	wrdreg $0xFFFFFFFF  }
0xbc: {  	[dreg:$0x0] =	wrdreg $0x60  }
0xbd: {  	[dreg:$0x2] =	wrdreg s24  }
0xbe: {  	[dreg:$0x3] =	wrdreg $0x9  }
0xbf: {  	_ =	task.clear_ibuf [dreg:s22], $0x4FFFF;
	_ =	strace $0x90000049  }
0xc0: {  	s29 =	simm.s32 $0x9;
	_ =	strace $0x8000004B  }
0xc1: {  	_ =	swait.ge [sflag:s29], $0x1  }
0xc2: {  	[sflag:s29] =	ssyncadd.s32 $0xFFFFFFFF  }
0xc3: {  	_ =	strace $0x9000004B  }
0xc4: {  	_ =	sfence  }
0xc5: {  	s30 =	sld [smem:$0x0];
	_ =	sdelay $0x2  }
0xc6: {  	s31 =	sshll.u32 s1, $0xD;
	s1 =	sshrl.u32 s1, $0x2  }
0xc7: {  	s4 =	sand.u32 $0x4000, s31;
	s1 =	sadd.s32 s1, s30  }
0xc8: {  	s0 =	sor.u32 s4, s0;
	s1 =	sshll.u32 s1, $0x11  }
0xc9: {  	s0 =	sor.u32 s1, s0  }
0xca: {  	s0 =	sadd.s32 $0x8F2B, s0  }
0xcb: {  	[sflag:s0] =	ssyncadd.remote.s32 $0x1  }
0xcc: {  	_ =	sfence.sel $0xFFFF  }
0xcd: {  	[dreg:$0x0] =	wrdreg $0xFFFFFFFF;
	(pc) =	sbr.abs _section_cstart, $3  }
0xce: {  	[dreg:$0x1] =	wrdreg $0xFFFFFFFF  }
0xcf: {  	_ =	task.clear_ibuf [dreg:s22], $0x2FFFF;
	_ =	strace $0x9FFFFFFF  }
0xd0: {  	(tm) =	ssettm $0x7FFFFFFF  }
0xd1: {  	_ =	shalt  }
tec
execute0_lowered:
.L_overlay_start_1:
0x0: {  	(tag) =	ssettag $0x1  }
0x1: {  	s0 =	srdreg.scid  }
0x2: {  	s3 =	stileid.u32;
	s4 =	rddreg [dreg:$0x0]  }
0x3: {  	s2 =	simm.s32 $0x0;
	s11 =	simm.s32 $0xB;
	s12 =	simm.s32 $0x80  }
0x4: {  	s13 =	simm.s32 $0xC80;
	s14 =	simm.s32 $0x2C80;
	s15 =	simm.s32 $0x1  }
0x5: {  	s16 =	simm.s32 $0x4C80;
	s17 =	simm.s32 $0x2;
	s18 =	simm.s32 $0x6C80  }
0x6: {  	s19 =	simm.s32 $0x3;
	s20 =	simm.s32 $0x8C80;
	s28 =	simm.s32 $0xA  }
0x7: {  	s0 =	sand.u32 $0x1, s0;
	s1 =	sshll.u32 s3, $0x1;
	s5 =	smul.u32 $0x64000, s3  }
0x8: {  	s29 =	simm.s32 $0x0;
	s1 =	sor.u32 s0, s1;
	s6 =	smul.u32 $0x32000, s0  }
0x9: {  	[smem:$0x7FF] =	sst s2;
	s0 =	ssub.s32 $0x2, s0;
	s1 =	smul.u32 $0x190, s1  }
0xa: {  	s3 =	sadd.s32 $0xF46000, s4;
	_ =	strace $0x8000004A;
	s7 =	sshrl.u32 s0, $0x1  }
0xb: {  	s5 =	sadd.s32 s6, s5;
	s0 =	ssub.s32 s0, s7;
	s1 =	sadd.s32 s1, s4  }
0xc: {  	s4 =	sadd.s32 $0xCEE00, s4;
	s6 =	sadd.s32 $0x2000, s5;
	s22 =	sshrl.u32 s5, $0x3  }
0xd: {  	s0 =	smax.u32 s0, $0x1;
	s25 =	sadd.s32 $0x8000, s5;
	s26 =	sadd.s32 $0x6000, s5  }
0xe: {  	s5 =	sadd.s32 $0x4000, s5;
	s1 =	sadd.s32 $0xCBC00, s1;
	s21 =	sshrl.u32 s6, $0x3  }
0xf: {  	[dreg:$0x3] =	wrdreg s0;
	s24 =	sadd.s32 s22, s4;
	s6 =	sshrl.u32 s26, $0x3  }
0x10: {  	s5 =	sshrl.u32 s5, $0x3;
	s22 =	simm.s32 $0x5;
	s26 =	simm.s32 $0x9  }
.Ltmp0:
0x11: {  	[dreg:$0x2] =	wrdreg s1;
	s23 =	sadd.s32 s21, s4;
	(pc) =	sbr.rel .LBB2_1-.Ltmp0, $4  }
0x12: {  	[dreg:$0x5] =	wrdreg s24;
	s1 =	sshrl.u32 s25, $0x3;
	s31 =	sadd.s32 s6, s4  }
0x13: {  	s10 =	sadd.s32 s5, s4;
	s21 =	simm.s32 $0x4;
	[dreg:$0x4] =	wrdreg s23  }
0x14: {  	s24 =	simm.s32 $0x7;
	s30 =	sadd.s32 s1, s4;
	[dreg:$0x7] =	wrdreg s31  }
0x15: {  	s25 =	simm.s32 $0x8;
	s23 =	simm.s32 $0x6;
	[dreg:$0x6] =	wrdreg s30  }
.LBB2_4:
0x16: {  	_ =	swait.ge [sflag:s23], $0x2000  }
0x17: {  	[sflag:s23] =	ssyncset.done $0x0  }
0x18: {  	[sflag:s23] =	ssyncadd.s32 $0xFFFFE000  }
0x19: {  	_ =	swait.ge [sflag:s24], $0x2000  }
0x1a: {  	[sflag:s24] =	ssyncset.done $0x0  }
0x1b: {  	[sflag:s24] =	ssyncadd.s32 $0xFFFFE000  }
0x1c: {  	_ =	swait.ge [sflag:s25], $0x2000  }
0x1d: {  	[sflag:s25] =	ssyncset.done $0x0  }
0x1e: {  	[sflag:s25] =	ssyncadd.s32 $0xFFFFE000  }
0x1f: {  	_ =	swait.ge [sflag:s26], $0x2000  }
0x20: {  	[sflag:s26] =	ssyncset.done $0x0  }
0x21: {  	[sflag:s26] =	ssyncadd.s32 $0xFFFFE000  }
0x22: {  	_ =	swait.ge [sflag:s28], $0x2000  }
0x23: {  	s29 =	sadd.s32 $0x1, s29;
	s0 =	rddreg [dreg:$0x3]  }
0x24: {  	p0 =	sne.s32 s29, s0  }
.Ltmp1:
0x25: {  	_ = 	snop;
	(pc) =	sbr.rel @!p0 .LBB2_5-.Ltmp1, $3  }
0x26: {  	_ =	sdelay $0x1  }
0x27: {  	[sflag:s28] =	ssyncset.done $0x0  }
0x28: {  	[sflag:s28] =	ssyncadd.s32 $0xFFFFE000  }
.LBB2_1:
0x29: {  	s0 =	rddreg [dreg:$0x2]  }
0x2a: {  	[tilespmem:s2], [sflag:$0xB] =	stream.linear.gather [hbm4b:s0+s2], $0xC80, $0x38;
	[tilespmem:$0xAC80] =	vst v63  }
0x2b: {  	_ =	swait.ge [sflag:s11], $0xC80  }
0x2c: {  	s31 =	rddreg [dreg:$0x7]  }
0x2d: {  	[sflag:s11] =	ssyncset.done $0x0;
	s8 =	rddreg [dreg:$0x6]  }
0x2e: {  	s7 =	rddreg [dreg:$0x5];
	[sflag:s11] =	ssyncadd.s32 $0xFFFFF380  }
0x2f: {  	[tilespmem:s13], [sflag:$0x1] =	stream.indirect.gather [hbm4b:s3+s12], $0x40, s2, s12, $0xb8;
	[tilespmem:$0xAC80] =	vst v63  }
0x30: {  	s30 =	smov.u32 s10;
	s5 =	simm.s32 $0x0;
	s6 =	rddreg [dreg:$0x4]  }
0x31: {  	[tilespmem:s14], [sflag:$0x2] =	stream.indirect.gather [hbm4b:s3+s12], $0x40, s12, s12, $0xb8;
	[tilespmem:$0xAC80] =	vst v63  }
.LBB2_2:
0x32: {  	_ =	swait.ge [sflag:s15], $0x2000  }
0x33: {  	p0 =	seq.s32 s5, $0x0;
	[sflag:s15] =	ssyncset.done $0x0  }
0x34: {  	s0 =	simm.s32 @!p0 $0x8;
	[sflag:s15] =	ssyncadd.s32 $0xFFFFE000  }
0x35: {  	[hbm4b:s7+s2] =	stream.linear.scatter [tilespmem:s13], [sflag:$0x6], $0x2000, $0x38;
	[tilespmem:$0xAC80] =	vst v63  }
0x36: {  	_ =	swait.ge @!p0 [sflag:s0], $0x2000  }
0x37: {  	s4 =	sshra.s32 s5, $0x2;
	[sflag:s0] =	ssyncset.done @!p0 $0x0  }
0x38: {  	s9 =	sadd.s32 $0x100, s4;
	[sflag:s0] =	ssyncadd.s32 @!p0 $0xFFFFE000  }
0x39: {  	[tilespmem:s16], [sflag:$0x3] =	stream.indirect.gather [hbm4b:s3+s12], $0x40, s9, s12, $0xb8;
	[tilespmem:$0xAC80] =	vst v63  }
0x3a: {  	_ =	swait.ge [sflag:s17], $0x2000  }
0x3b: {  	[sflag:s17] =	ssyncset.done $0x0  }
0x3c: {  	s0 =	simm.s32 @!p0 $0x9;
	[sflag:s17] =	ssyncadd.s32 $0xFFFFE000  }
0x3d: {  	[hbm4b:s6+s2] =	stream.linear.scatter [tilespmem:s14], [sflag:$0x7], $0x2000, $0x38;
	[tilespmem:$0xAC80] =	vst v63  }
0x3e: {  	_ =	swait.ge @!p0 [sflag:s0], $0x2000  }
0x3f: {  	[sflag:s0] =	ssyncset.done @!p0 $0x0  }
0x40: {  	s1 =	sadd.s32 $0x180, s4;
	[sflag:s0] =	ssyncadd.s32 @!p0 $0xFFFFE000  }
0x41: {  	[tilespmem:s18], [sflag:$0x4] =	stream.indirect.gather [hbm4b:s3+s12], $0x40, s1, s12, $0xb8;
	[tilespmem:$0xAC80] =	vst v63  }
0x42: {  	_ =	swait.ge [sflag:s19], $0x2000  }
0x43: {  	[sflag:s19] =	ssyncset.done $0x0  }
0x44: {  	s0 =	simm.s32 @!p0 $0xA;
	[sflag:s19] =	ssyncadd.s32 $0xFFFFE000  }
0x45: {  	[hbm4b:s30+s2] =	stream.linear.scatter [tilespmem:s16], [sflag:$0x8], $0x2000, $0x38;
	[tilespmem:$0xAC80] =	vst v63  }
0x46: {  	_ =	swait.ge @!p0 [sflag:s0], $0x2000  }
0x47: {  	[sflag:s0] =	ssyncset.done @!p0 $0x0  }
0x48: {  	s9 =	sadd.s32 $0x200, s4;
	[sflag:s0] =	ssyncadd.s32 @!p0 $0xFFFFE000  }
0x49: {  	[tilespmem:s20], [sflag:$0x5] =	stream.indirect.gather [hbm4b:s3+s12], $0x40, s9, s12, $0xb8;
	[tilespmem:$0xAC80] =	vst v63  }
0x4a: {  	_ =	swait.ge [sflag:s21], $0x2000  }
0x4b: {  	p0 =	seq.s32 s5, $0x2800;
	[sflag:s21] =	ssyncset.done $0x0  }
0x4c: {  	s0 =	simm.s32 @!p0 $0x6;
	[sflag:s21] =	ssyncadd.s32 $0xFFFFE000  }
0x4d: {  	[hbm4b:s31+s2] =	stream.linear.scatter [tilespmem:s18], [sflag:$0x9], $0x2000, $0x38;
	[tilespmem:$0xAC80] =	vst v63  }
0x4e: {  	_ =	swait.ge @!p0 [sflag:s0], $0x2000  }
0x4f: {  	[sflag:s0] =	ssyncset.done @!p0 $0x0  }
0x50: {  	[sflag:s0] =	ssyncadd.s32 @!p0 $0xFFFFE000;
	s0 =	sshra.s32 @!p0 s5, $0x2  }
0x51: {  	s1 =	simm.s32 @!p0 $0x80;
	s9 =	simm.s32 @!p0 $0xC80;
	s0 =	sadd.s32 @!p0 $0x280, s0  }
0x52: {  	[tilespmem:s9], [sflag:$0x1] =	stream.indirect.gather @!p0 [hbm4b:s3+s1], $0x40, s0, s1, $0xb8;
	[tilespmem:$0xAC80] =	vst v63  }
.Ltmp2:
0x53: {  	_ = 	snop;
	(pc) =	sbr.rel @p0 .LBB2_4-.Ltmp2, $4  }
0x54: {  	_ =	swait.ge [sflag:s22], $0x2000  }
0x55: {  	[sflag:s22] =	ssyncset.done $0x0  }
0x56: {  	[sflag:s22] =	ssyncadd.s32 $0xFFFFE000  }
0x57: {  	[hbm4b:s8+s2] =	stream.linear.scatter [tilespmem:s20], [sflag:$0xA], $0x2000, $0x38;
	[tilespmem:$0xAC80] =	vst v63  }
.Ltmp3:
0x58: {  	_ =	swait.ge [sflag:s24], $0x2000;
	(pc) =	sbr.rel .LBB2_2-.Ltmp3, $4  }
0x59: {  	s0 =	sadd.s32 $0x300, s4;
	s5 =	sadd.s32 $0xA00, s5;
	s6 =	sadd.s32 $0x1400, s6  }
0x5a: {  	s7 =	sadd.s32 $0x1400, s7;
	s8 =	sadd.s32 $0x1400, s8;
	[sflag:s24] =	ssyncset.done $0x0  }
0x5b: {  	s31 =	sadd.s32 $0x1400, s31;
	s30 =	sadd.s32 $0x1400, s30;
	[sflag:s24] =	ssyncadd.s32 $0xFFFFE000  }
0x5c: {  	[tilespmem:s14], [sflag:$0x2] =	stream.indirect.gather [hbm4b:s3+s12], $0x40, s0, s12, $0xb8;
	[tilespmem:$0xAC80] =	vst v63  }
.LBB2_5:
0x5d: {  	_ =	sfence.sel $0x180000  }
0x5e: {  	[bflag:$0x0] =	sbarrier.arrive $0xFFFF  }
0x5f: {  	_ =	strace $0x9000004A  }
0x60: {  	s0 =	stileid.u32;
	[bflag:$0x2] =	sbarrier.arrive $0xFFFF  }
0x61: {  	p0 =	sne.s32 s0, $0x0;
	s0 =	rddreg [dreg:$0x1]  }
0x62: {  	s0 =	sadd.s32 @!p0 $0x100000, s0  }
0x63: {  	[sflag:s0] =	ssyncadd.tile.s32 @!p0 $0x1;
	_ =	shalt  }
.Lfunc_end2:
_tile_overlayer_lowered:
.L_overlay_start_2:
0x64: {  	(tag) =	ssettag $0x2  }
0x65: {  	s0 =	rddreg [dreg:$0x0];
	s2 =	stileid.u32  }
0x66: {  	s1 =	rddreg [dreg:$0x1];
	p0 =	sne.s32 s2, $0x0  }
0x67: {  	s3 =	rddreg [dreg:$0x2];
	[bflag:$0x3] =	sbarrier.arrive $0xFFFF;
	s2 =	simm.s32 @!p0 $0x1C0B  }
0x68: {  	[timem:s3], [sflag:s2] =	dma.local @!p0 [hbm:s0], s1  }
0x69: {  	s0 =	simm.s32 @!p0 $0xB  }
0x6a: {  	_ =	swait.ge @!p0 [sflag:s0], s1  }
0x6b: {  	s1 =	ssub.s32 @!p0 $0x0, s1;
	[sflag:s0] =	ssyncset.done @!p0 $0x0  }
0x6c: {  	[sflag:s0] =	ssyncadd.s32 @!p0 s1  }
0x6d: {  	[bflag:$0x3] =	sbarrier.arrive $0xFFFF  }
0x6e: {  	_ =	shalt  }

// kernel: kernel.9.cloned.1.call-start
scs
__scs_entry_jumppad:
0x0: {  	(pc) =	sbr.rel $0x88, $3  }
0x1: {  	(tag) =	ssettag $0x0;
	lr =	simm.s32 $0x1  }
0x2: {  	[smem:$0x3F9D] =	sst lr;
	_ =	strace $0xD0000000  }
0x3: {  	_ = 	snop  }
0x4: {  	_ = 	snop  }
0x5: {  	_ = 	snop  }
0x6: {  	_ = 	snop  }
0x7: {  	_ = 	snop  }
__scs_overlays_trampoline_lowered:
0x8: {  	[smem:$0x3FAC] =	sst s0  }
0x9: {  	[smem:$0x3FAD] =	sst s1  }
0xa: {  	[smem:$0x3FAE] =	sst s2  }
0xb: {  	[smem:$0x3FAF] =	sst s3  }
0xc: {  	[smem:$0x3FB0] =	sst s4  }
0xd: {  	[smem:$0x3FB1] =	sst s5  }
0xe: {  	[smem:$0x3FB2] =	sst s6  }
0xf: {  	[smem:$0x3FB3] =	sst s7  }
0x10: {  	[smem:$0x3FB4] =	sst s8  }
0x11: {  	[smem:$0x3FB5] =	sst s9;
	s0 =	simm.s32 @!p0 $0x0  }
0x12: {  	s1 =	sld [smem:$0x3F9B];
	s0 =	simm.s32 @p0 $0x1  }
0x13: {  	[smem:$0x3FB6] =	sst s0;
	s0 =	simm.s32 @!p1 $0x0  }
0x14: {  	s2 =	sld [smem:$0x3F9A];
	s0 =	simm.s32 @p1 $0x1  }
0x15: {  	[smem:$0x3FB7] =	sst s0;
	s0 =	simm.s32 @!p2 $0x0  }
0x16: {  	s3 =	sld [smem:$0x3FDB];
	s0 =	simm.s32 @p2 $0x1  }
0x17: {  	s4 =	simm.s32 $0x1BF5;
	[smem:$0x3FB9] =	sst s0  }
0x18: {  	s0 =	sld [smem:$0x3F9C];
	_ =	swait.ge [sflag:s4], $0x0  }
0x19: {  	s7 =	sld [smem:$0x3F9D]  }
0x1a: {  	s8 =	sadd.s32 $0xFFFFE003, lr  }
0x1b: {  	s9 =	sadd.s32 $0xFFFFFEF7, lr;
	s5 =	simm.s32 $0xFFFFFFFF;
	p2 =	slt.u32 s8, $0xFFFFF086  }
0x1c: {  	p1 =	slt.u32 s9, $0xF7A;
	s5 =	simm.s32 @!p2 $0x0  }
0x1d: {  	s5 =	simm.s32 @p1 $0x1;
	p0 =	seq.s32 s7, s2  }
0x1e: {  	s7 =	smul.u32 @!p0 $0xF7A, s2;
	p2 =	seq.s32 @!p0 s5, $0x0  }
0x1f: {  	s9 =	smul.u32 $0xF7A, s1;
	s8 =	simm.s32 @!p0 $0x1BF5;
	p2 =	por !p2, p0  }
0x20: {  	[sflag:s8] =	ssyncset.s32 @!p0 $0xFFFFF086;
	s6 =	sadd.s32 @!p0 s3, s7;
	s7 =	simm.s32 @!p0 $0x108  }
0x21: {  	s3 =	sadd.s32 s3, s9;
	s6 =	sadd.s32 @!p0 $0x88, s6;
	s7 =	simm.s32 @p2 $0x1082  }
0x22: {  	[simem:s7], [sflag:s8] =	dma.local @!p0 [hbm:s6], $0xF7A  }
0x23: {  	s9 =	sor.u32 $0xD0000000, s2;
	s6 =	simm.s32 $0x108;
	_ =	swait.ge @!p0 [sflag:s8], $0x0  }
0x24: {  	s3 =	sadd.s32 $0x88, s3;
	s6 =	simm.s32 @!p1 $0x1082;
	[sflag:s4] =	ssyncset.s32 $0xFFFFF086  }
0x25: {  	[simem:s6], [sflag:s4] =	dma.local [hbm:s3], $0xF7A  }
0x26: {  	[smem:$0x3F9D] =	sst s1;
	(tag) =	ssettag s2;
	_ =	strace s9  }
0x27: {  	s1 =	sld [smem:$0x3FAD]  }
0x28: {  	s2 =	sld [smem:$0x3FAE]  }
0x29: {  	s4 =	sld [smem:$0x3FB0]  }
0x2a: {  	p0 =	seq.s32 s5, $0x0;
	s5 =	sld [smem:$0x3FB1]  }
0x2b: {  	s6 =	sld [smem:$0x3FB2]  }
0x2c: {  	s7 =	sld [smem:$0x3FB3]  }
0x2d: {  	s3 =	simm.s32 $0x108;
	s8 =	sld [smem:$0x3FB4]  }
0x2e: {  	s3 =	simm.s32 @!p0 $0x1082;
	s9 =	sld [smem:$0x3FB5]  }
0x2f: {  	lr =	sadd.s32 s0, s3;
	s0 =	sld [smem:$0x3FAC]  }
0x30: {  	s3 =	sld [smem:$0x3FAF]  }
0x31: {  	[smem:$0x3FB8] =	sst s10  }
0x32: {  	s10 =	sld [smem:$0x3FB6];
	_ =	sdelay $0x3  }
0x33: {  	p0 =	seq.s32 s10, $0x1;
	s10 =	sld [smem:$0x3FB8];
	_ =	sdelay $0x3  }
0x34: {  	[smem:$0x3FB8] =	sst s10  }
0x35: {  	s10 =	sld [smem:$0x3FB7];
	_ =	sdelay $0x3  }
0x36: {  	p1 =	seq.s32 s10, $0x1;
	s10 =	sld [smem:$0x3FB8];
	_ =	sdelay $0x3  }
0x37: {  	[smem:$0x3FB8] =	sst s10  }
0x38: {  	s10 =	sld [smem:$0x3FB9]  }
0x39: {  	_ = 	snop;
	(pc) =	sbr.ind lr, $3  }
0x3a: {  	_ = 	snop  }
0x3b: {  	_ = 	snop  }
0x3c: {  	p2 =	seq.s32 s10, $0x1;
	s10 =	sld [smem:$0x3FB8]  }
0x3d: {  	_ =	shalt  }
0x3e: {  	_ =	shalt  }
0x3f: {  	_ =	shalt  }
0x40: {  	_ =	shalt  }
0x41: {  	_ =	shalt  }
0x42: {  	_ =	shalt  }
0x43: {  	_ =	shalt  }
0x44: {  	_ =	shalt  }
0x45: {  	_ =	shalt  }
0x46: {  	_ =	shalt  }
0x47: {  	_ =	shalt  }
0x48: {  	_ =	shalt  }
0x49: {  	_ =	shalt  }
0x4a: {  	_ =	shalt  }
0x4b: {  	_ =	shalt  }
0x4c: {  	_ =	shalt  }
0x4d: {  	_ =	shalt  }
0x4e: {  	_ =	shalt  }
0x4f: {  	_ =	shalt  }
0x50: {  	_ =	shalt  }
0x51: {  	_ =	shalt  }
0x52: {  	_ =	shalt  }
0x53: {  	_ =	shalt  }
0x54: {  	_ =	shalt  }
0x55: {  	_ =	shalt  }
0x56: {  	_ =	shalt  }
0x57: {  	_ =	shalt  }
0x58: {  	_ =	shalt  }
0x59: {  	_ =	shalt  }
0x5a: {  	_ =	shalt  }
0x5b: {  	_ =	shalt  }
0x5c: {  	_ =	shalt  }
0x5d: {  	_ =	shalt  }
0x5e: {  	_ =	shalt  }
0x5f: {  	_ =	shalt  }
0x60: {  	_ =	shalt  }
0x61: {  	_ =	shalt  }
0x62: {  	_ =	shalt  }
0x63: {  	_ =	shalt  }
0x64: {  	_ =	shalt  }
0x65: {  	_ =	shalt  }
0x66: {  	_ =	shalt  }
0x67: {  	_ =	shalt  }
0x68: {  	_ =	shalt  }
0x69: {  	_ =	shalt  }
0x6a: {  	_ =	shalt  }
0x6b: {  	_ =	shalt  }
0x6c: {  	_ =	shalt  }
0x6d: {  	_ =	shalt  }
0x6e: {  	_ =	shalt  }
0x6f: {  	_ =	shalt  }
0x70: {  	_ =	shalt  }
0x71: {  	_ =	shalt  }
0x72: {  	_ =	shalt  }
0x73: {  	_ =	shalt  }
0x74: {  	_ =	shalt  }
0x75: {  	_ =	shalt  }
0x76: {  	_ =	shalt  }
0x77: {  	_ =	shalt  }
0x78: {  	_ =	shalt  }
0x79: {  	_ =	shalt  }
0x7a: {  	_ =	shalt  }
0x7b: {  	_ =	shalt  }
0x7c: {  	_ =	shalt  }
0x7d: {  	_ =	shalt  }
0x7e: {  	_ =	shalt  }
0x7f: {  	_ =	shalt  }
0x80: {  	_ =	shalt  }
0x81: {  	_ =	shalt  }
0x82: {  	_ =	shalt  }
0x83: {  	_ =	shalt  }
0x84: {  	_ =	shalt  }
0x85: {  	_ =	shalt  }
0x86: {  	_ =	shalt  }
0x87: {  	_ =	shalt  }
.Lfunc_end0:
.L_simem_size_0:
called_computation.1_lowered:
.L_overlay_start_0:
0x88: {  	s2 =	sld [smem:$0x3FD9]  }
0x89: {  	s3 =	sld [smem:$0x3FFE];
	_ =	sdelay $0x1  }
0x8a: {  	s1 =	srdreg.scid  }
0x8b: {  	s0 =	sand.u32 $0x1, s1  }
0x8c: {  	s16 =	sshll.u32 s0, $0xA;
	s2 =	sadd.s32 s3, s2  }
0x8d: {  	s2 =	sadd.s32 s2, s16  }
0x8e: {  	[smem:$0x3FC4] =	sst s2  }
0x8f: {  	_ = 	snop  }
0x90: {  	(tm) =	ssettm $0x1  }
0x91: {  	s17 =	sld [smem:$0x3FFB];
	_ =	sdelay $0x3  }
0x92: {  	_ =	strace s17  }
0x93: {  	s2 =	sld [smem:$0x3FFC];
	_ =	sdelay $0x3  }
0x94: {  	_ =	strace s2  }
0x95: {  	s2 =	sld [smem:$0x3FFD];
	_ =	sdelay $0x3  }
0x96: {  	_ =	strace s2  }
0x97: {  	_ =	strace $0x8FFFFFFF  }
0x98: {  	s18 =	sld [smem:$0x3FDB];
	_ =	sdelay $0x1  }
0x99: {  	s19 =	simm.s32 $_scs_section_size  }
0x9a: {  	s4 =	simm.s32 $_size__tile_overlayer_lowered;
	s5 =	simm.s32 $_tile_overlayer_lowered  }
0x9b: {  	s22 =	simm.s32 $0x1BFF;
	s21 =	sshll.u32 s5, $0x1;
	s2 =	sadd.s32 s19, s18  }
0x9c: {  	s6 =	simm.s32 $0x0;
	s20 =	sshll.u32 s4, $0x1;
	s4 =	sadd.s32 s21, s2  }
0x9d: {  	[timem:s6], [sflag:s22] =	dma.local [hbm:s4], s20  }
0x9e: {  	_ =	swait.ge [sflag:s22], s20  }
0x9f: {  	s3 =	ssub.s32 $0x0, s20;
	[sflag:s22] =	ssyncset.done $0x0  }
0xa0: {  	[sflag:s22] =	ssyncadd.s32 s3;
	_ =	sdelay $0x1  }
0xa1: {  	s23 =	simm.s32 $0x1B8B  }
0xa2: {  	_ =	swait.ge [sflag:s23], $0x1  }
0xa3: {  	[sflag:s23] =	ssyncset.done $0x0  }
0xa4: {  	s25 =	simm.s32 $0x1B8E;
	s24 =	sld [smem:$0x3FFE];
	[sflag:s23] =	ssyncadd.s32 $0xFFFFFFFF  }
0xa5: {  	s26 =	simm.s32 $execute0_lowered;
	[smem:$0x3FD2] =	sst s25  }
0xa6: {  	s4 =	sshll.u32 s26, $0x1;
	_ =	strace $0x80000046;
	[dreg:$0x1] =	wrdreg $0xFFFFFFFF  }
0xa7: {  	s28 =	simm.s32 $_size_execute0_lowered;
	s2 =	sadd.s32 s2, s4;
	[dreg:$0x0] =	wrdreg $0x0  }
0xa8: {  	s4 =	sshll.u32 s28, $0x1;
	[dreg:$0x2] =	wrdreg s2  }
0xa9: {  	[dreg:$0x3] =	wrdreg s4  }
0xaa: {  	[dreg:$0x4] =	wrdreg $0xC0  }
0xab: {  	_ =	task [dreg:s6], $0x5FFFF  }
0xac: {  	[dreg:$0x1] =	wrdreg $0xFFFFFFFF  }
0xad: {  	[dreg:$0x0] =	wrdreg $0x60  }
0xae: {  	[dreg:$0x2] =	wrdreg s24  }
0xaf: {  	[dreg:$0x3] =	wrdreg $0xA  }
0xb0: {  	_ =	task.clear_ibuf [dreg:s6], $0x4FFFF;
	_ =	strace $0x90000046  }
0xb1: {  	s29 =	simm.s32 $0xA;
	_ =	strace $0x80000048  }
0xb2: {  	_ =	swait.ge [sflag:s29], $0x1  }
0xb3: {  	[sflag:s29] =	ssyncadd.s32 $0xFFFFFFFF  }
0xb4: {  	_ =	strace $0x90000048  }
0xb5: {  	_ =	sfence  }
0xb6: {  	s30 =	sld [smem:$0x0];
	_ =	sdelay $0x2  }
0xb7: {  	s31 =	sshll.u32 s1, $0xD;
	s1 =	sshrl.u32 s1, $0x2  }
0xb8: {  	s3 =	sand.u32 $0x4000, s31;
	s1 =	sadd.s32 s1, s30  }
0xb9: {  	s0 =	sor.u32 s3, s0;
	s1 =	sshll.u32 s1, $0x11  }
0xba: {  	s0 =	sor.u32 s1, s0  }
0xbb: {  	s0 =	sadd.s32 $0x8F2B, s0  }
0xbc: {  	[sflag:s0] =	ssyncadd.remote.s32 $0x1  }
0xbd: {  	_ =	sfence.sel $0xFFFF  }
0xbe: {  	[dreg:$0x0] =	wrdreg $0xFFFFFFFF;
	(pc) =	sbr.abs _section_cstart, $3  }
0xbf: {  	[dreg:$0x1] =	wrdreg $0xFFFFFFFF  }
0xc0: {  	_ =	task.clear_ibuf [dreg:s6], $0x2FFFF;
	_ =	strace $0x9FFFFFFF  }
0xc1: {  	(tm) =	ssettm $0x7FFFFFFF  }
tec
execute0_lowered:
.L_overlay_start_1:
0x0: {  	(tag) =	ssettag $0x1  }
0x1: {  	s0 =	srdreg.scid  }
0x2: {  	s3 =	stileid.u32;
	s4 =	rddreg [dreg:$0x0]  }
0x3: {  	s2 =	simm.s32 $0x0;
	s11 =	simm.s32 $0xB;
	s12 =	simm.s32 $0x80  }
0x4: {  	s13 =	simm.s32 $0xC80;
	s14 =	simm.s32 $0x2C80;
	s15 =	simm.s32 $0x1  }
0x5: {  	s16 =	simm.s32 $0x4C80;
	s17 =	simm.s32 $0x2;
	s18 =	simm.s32 $0x6C80  }
0x6: {  	s19 =	simm.s32 $0x3;
	s20 =	simm.s32 $0x8C80;
	s28 =	simm.s32 $0xA  }
0x7: {  	s0 =	sand.u32 $0x1, s0;
	s1 =	sshll.u32 s3, $0x1;
	s5 =	smul.u32 $0x64000, s3  }
0x8: {  	s29 =	simm.s32 $0x0;
	s1 =	sor.u32 s0, s1;
	s6 =	smul.u32 $0x32000, s0  }
0x9: {  	[smem:$0x7FF] =	sst s2;
	s0 =	ssub.s32 $0x2, s0;
	s1 =	smul.u32 $0x190, s1  }
0xa: {  	s3 =	sadd.s32 $0xF46000, s4;
	_ =	strace $0x80000047;
	s7 =	sshrl.u32 s0, $0x1  }
0xb: {  	s5 =	sadd.s32 s6, s5;
	s0 =	ssub.s32 s0, s7;
	s1 =	sadd.s32 s1, s4  }
0xc: {  	s4 =	sadd.s32 $0x3C00, s4;
	s6 =	sadd.s32 $0x2000, s5;
	s22 =	sshrl.u32 s5, $0x3  }
0xd: {  	s0 =	smax.u32 s0, $0x1;
	s25 =	sadd.s32 $0x8000, s5;
	s26 =	sadd.s32 $0x6000, s5  }
0xe: {  	s5 =	sadd.s32 $0x4000, s5;
	s1 =	sadd.s32 $0xA00, s1;
	s21 =	sshrl.u32 s6, $0x3  }
0xf: {  	[dreg:$0x3] =	wrdreg s0;
	s24 =	sadd.s32 s22, s4;
	s6 =	sshrl.u32 s26, $0x3  }
0x10: {  	s5 =	sshrl.u32 s5, $0x3;
	s22 =	simm.s32 $0x5;
	s26 =	simm.s32 $0x9  }
.Ltmp0:
0x11: {  	[dreg:$0x2] =	wrdreg s1;
	s23 =	sadd.s32 s21, s4;
	(pc) =	sbr.rel .LBB2_1-.Ltmp0, $4  }
0x12: {  	[dreg:$0x5] =	wrdreg s24;
	s1 =	sshrl.u32 s25, $0x3;
	s31 =	sadd.s32 s6, s4  }
0x13: {  	s10 =	sadd.s32 s5, s4;
	s21 =	simm.s32 $0x4;
	[dreg:$0x4] =	wrdreg s23  }
0x14: {  	s24 =	simm.s32 $0x7;
	s30 =	sadd.s32 s1, s4;
	[dreg:$0x7] =	wrdreg s31  }
0x15: {  	s25 =	simm.s32 $0x8;
	s23 =	simm.s32 $0x6;
	[dreg:$0x6] =	wrdreg s30  }
.LBB2_4:
0x16: {  	_ =	swait.ge [sflag:s23], $0x2000  }
0x17: {  	[sflag:s23] =	ssyncset.done $0x0  }
0x18: {  	[sflag:s23] =	ssyncadd.s32 $0xFFFFE000  }
0x19: {  	_ =	swait.ge [sflag:s24], $0x2000  }
0x1a: {  	[sflag:s24] =	ssyncset.done $0x0  }
0x1b: {  	[sflag:s24] =	ssyncadd.s32 $0xFFFFE000  }
0x1c: {  	_ =	swait.ge [sflag:s25], $0x2000  }
0x1d: {  	[sflag:s25] =	ssyncset.done $0x0  }
0x1e: {  	[sflag:s25] =	ssyncadd.s32 $0xFFFFE000  }
0x1f: {  	_ =	swait.ge [sflag:s26], $0x2000  }
0x20: {  	[sflag:s26] =	ssyncset.done $0x0  }
0x21: {  	[sflag:s26] =	ssyncadd.s32 $0xFFFFE000  }
0x22: {  	_ =	swait.ge [sflag:s28], $0x2000  }
0x23: {  	s29 =	sadd.s32 $0x1, s29;
	s0 =	rddreg [dreg:$0x3]  }
0x24: {  	p0 =	sne.s32 s29, s0  }
.Ltmp1:
0x25: {  	_ = 	snop;
	(pc) =	sbr.rel @!p0 .LBB2_5-.Ltmp1, $3  }
0x26: {  	_ =	sdelay $0x1  }
0x27: {  	[sflag:s28] =	ssyncset.done $0x0  }
0x28: {  	[sflag:s28] =	ssyncadd.s32 $0xFFFFE000  }
.LBB2_1:
0x29: {  	s0 =	rddreg [dreg:$0x2]  }
0x2a: {  	[tilespmem:s2], [sflag:$0xB] =	stream.linear.gather [hbm4b:s0+s2], $0xC80, $0x38;
	[tilespmem:$0xAC80] =	vst v63  }
0x2b: {  	_ =	swait.ge [sflag:s11], $0xC80  }
0x2c: {  	s31 =	rddreg [dreg:$0x7]  }
0x2d: {  	[sflag:s11] =	ssyncset.done $0x0;
	s8 =	rddreg [dreg:$0x6]  }
0x2e: {  	s7 =	rddreg [dreg:$0x5];
	[sflag:s11] =	ssyncadd.s32 $0xFFFFF380  }
0x2f: {  	[tilespmem:s13], [sflag:$0x1] =	stream.indirect.gather [hbm4b:s3+s12], $0x40, s2, s12, $0xb8;
	[tilespmem:$0xAC80] =	vst v63  }
0x30: {  	s30 =	smov.u32 s10;
	s5 =	simm.s32 $0x0;
	s6 =	rddreg [dreg:$0x4]  }
0x31: {  	[tilespmem:s14], [sflag:$0x2] =	stream.indirect.gather [hbm4b:s3+s12], $0x40, s12, s12, $0xb8;
	[tilespmem:$0xAC80] =	vst v63  }
.LBB2_2:
0x32: {  	_ =	swait.ge [sflag:s15], $0x2000  }
0x33: {  	p0 =	seq.s32 s5, $0x0;
	[sflag:s15] =	ssyncset.done $0x0  }
0x34: {  	s0 =	simm.s32 @!p0 $0x8;
	[sflag:s15] =	ssyncadd.s32 $0xFFFFE000  }
0x35: {  	[hbm4b:s7+s2] =	stream.linear.scatter [tilespmem:s13], [sflag:$0x6], $0x2000, $0x38;
	[tilespmem:$0xAC80] =	vst v63  }
0x36: {  	_ =	swait.ge @!p0 [sflag:s0], $0x2000  }
0x37: {  	s4 =	sshra.s32 s5, $0x2;
	[sflag:s0] =	ssyncset.done @!p0 $0x0  }
0x38: {  	s9 =	sadd.s32 $0x100, s4;
	[sflag:s0] =	ssyncadd.s32 @!p0 $0xFFFFE000  }
0x39: {  	[tilespmem:s16], [sflag:$0x3] =	stream.indirect.gather [hbm4b:s3+s12], $0x40, s9, s12, $0xb8;
	[tilespmem:$0xAC80] =	vst v63  }
0x3a: {  	_ =	swait.ge [sflag:s17], $0x2000  }
0x3b: {  	[sflag:s17] =	ssyncset.done $0x0  }
0x3c: {  	s0 =	simm.s32 @!p0 $0x9;
	[sflag:s17] =	ssyncadd.s32 $0xFFFFE000  }
0x3d: {  	[hbm4b:s6+s2] =	stream.linear.scatter [tilespmem:s14], [sflag:$0x7], $0x2000, $0x38;
	[tilespmem:$0xAC80] =	vst v63  }
0x3e: {  	_ =	swait.ge @!p0 [sflag:s0], $0x2000  }
0x3f: {  	[sflag:s0] =	ssyncset.done @!p0 $0x0  }
0x40: {  	s1 =	sadd.s32 $0x180, s4;
	[sflag:s0] =	ssyncadd.s32 @!p0 $0xFFFFE000  }
0x41: {  	[tilespmem:s18], [sflag:$0x4] =	stream.indirect.gather [hbm4b:s3+s12], $0x40, s1, s12, $0xb8;
	[tilespmem:$0xAC80] =	vst v63  }
0x42: {  	_ =	swait.ge [sflag:s19], $0x2000  }
0x43: {  	[sflag:s19] =	ssyncset.done $0x0  }
0x44: {  	s0 =	simm.s32 @!p0 $0xA;
	[sflag:s19] =	ssyncadd.s32 $0xFFFFE000  }
0x45: {  	[hbm4b:s30+s2] =	stream.linear.scatter [tilespmem:s16], [sflag:$0x8], $0x2000, $0x38;
	[tilespmem:$0xAC80] =	vst v63  }
0x46: {  	_ =	swait.ge @!p0 [sflag:s0], $0x2000  }
0x47: {  	[sflag:s0] =	ssyncset.done @!p0 $0x0  }
0x48: {  	s9 =	sadd.s32 $0x200, s4;
	[sflag:s0] =	ssyncadd.s32 @!p0 $0xFFFFE000  }
0x49: {  	[tilespmem:s20], [sflag:$0x5] =	stream.indirect.gather [hbm4b:s3+s12], $0x40, s9, s12, $0xb8;
	[tilespmem:$0xAC80] =	vst v63  }
0x4a: {  	_ =	swait.ge [sflag:s21], $0x2000  }
0x4b: {  	p0 =	seq.s32 s5, $0x2800;
	[sflag:s21] =	ssyncset.done $0x0  }
0x4c: {  	s0 =	simm.s32 @!p0 $0x6;
	[sflag:s21] =	ssyncadd.s32 $0xFFFFE000  }
0x4d: {  	[hbm4b:s31+s2] =	stream.linear.scatter [tilespmem:s18], [sflag:$0x9], $0x2000, $0x38;
	[tilespmem:$0xAC80] =	vst v63  }
0x4e: {  	_ =	swait.ge @!p0 [sflag:s0], $0x2000  }
0x4f: {  	[sflag:s0] =	ssyncset.done @!p0 $0x0  }
0x50: {  	[sflag:s0] =	ssyncadd.s32 @!p0 $0xFFFFE000;
	s0 =	sshra.s32 @!p0 s5, $0x2  }
0x51: {  	s1 =	simm.s32 @!p0 $0x80;
	s9 =	simm.s32 @!p0 $0xC80;
	s0 =	sadd.s32 @!p0 $0x280, s0  }
0x52: {  	[tilespmem:s9], [sflag:$0x1] =	stream.indirect.gather @!p0 [hbm4b:s3+s1], $0x40, s0, s1, $0xb8;
	[tilespmem:$0xAC80] =	vst v63  }
.Ltmp2:
0x53: {  	_ = 	snop;
	(pc) =	sbr.rel @p0 .LBB2_4-.Ltmp2, $4  }
0x54: {  	_ =	swait.ge [sflag:s22], $0x2000  }
0x55: {  	[sflag:s22] =	ssyncset.done $0x0  }
0x56: {  	[sflag:s22] =	ssyncadd.s32 $0xFFFFE000  }
0x57: {  	[hbm4b:s8+s2] =	stream.linear.scatter [tilespmem:s20], [sflag:$0xA], $0x2000, $0x38;
	[tilespmem:$0xAC80] =	vst v63  }
.Ltmp3:
0x58: {  	_ =	swait.ge [sflag:s24], $0x2000;
	(pc) =	sbr.rel .LBB2_2-.Ltmp3, $4  }
0x59: {  	s0 =	sadd.s32 $0x300, s4;
	s5 =	sadd.s32 $0xA00, s5;
	s6 =	sadd.s32 $0x1400, s6  }
0x5a: {  	s7 =	sadd.s32 $0x1400, s7;
	s8 =	sadd.s32 $0x1400, s8;
	[sflag:s24] =	ssyncset.done $0x0  }
0x5b: {  	s31 =	sadd.s32 $0x1400, s31;
	s30 =	sadd.s32 $0x1400, s30;
	[sflag:s24] =	ssyncadd.s32 $0xFFFFE000  }
0x5c: {  	[tilespmem:s14], [sflag:$0x2] =	stream.indirect.gather [hbm4b:s3+s12], $0x40, s0, s12, $0xb8;
	[tilespmem:$0xAC80] =	vst v63  }
.LBB2_5:
0x5d: {  	_ =	sfence.sel $0x180000  }
0x5e: {  	[bflag:$0x0] =	sbarrier.arrive $0xFFFF  }
0x5f: {  	_ =	strace $0x90000047  }
0x60: {  	s0 =	stileid.u32;
	[bflag:$0x2] =	sbarrier.arrive $0xFFFF  }
0x61: {  	p0 =	sne.s32 s0, $0x0;
	s0 =	rddreg [dreg:$0x1]  }
0x62: {  	s0 =	sadd.s32 @!p0 $0x100000, s0  }
0x63: {  	[sflag:s0] =	ssyncadd.tile.s32 @!p0 $0x1;
	_ =	shalt  }
.Lfunc_end2:
_tile_overlayer_lowered:
.L_overlay_start_2:
0x64: {  	(tag) =	ssettag $0x2  }
0x65: {  	s0 =	rddreg [dreg:$0x0];
	s2 =	stileid.u32  }
0x66: {  	s1 =	rddreg [dreg:$0x1];
	p0 =	sne.s32 s2, $0x0  }
0x67: {  	s3 =	rddreg [dreg:$0x2];
	[bflag:$0x3] =	sbarrier.arrive $0xFFFF;
	s2 =	simm.s32 @!p0 $0x1C0B  }
0x68: {  	[timem:s3], [sflag:s2] =	dma.local @!p0 [hbm:s0], s1  }
0x69: {  	s0 =	simm.s32 @!p0 $0xB  }
0x6a: {  	_ =	swait.ge @!p0 [sflag:s0], s1  }
0x6b: {  	s1 =	ssub.s32 @!p0 $0x0, s1;
	[sflag:s0] =	ssyncset.done @!p0 $0x0  }
0x6c: {  	[sflag:s0] =	ssyncadd.s32 @!p0 s1  }
0x6d: {  	[bflag:$0x3] =	sbarrier.arrive $0xFFFF  }
0x6e: {  	_ =	shalt  }

</sc_bundles>
